<compile_context>
chip_gen: v7x
topology: tpu7x:2x2x1
jax: 0.10.2.dev20260603
libtpu: 0.0.44.dev20260713+nightly
codegen_flags: <defaults>
</compile_context>

<pallas_src>
import functools

import jax
import jax.numpy as jnp
from jax import lax
from jax.experimental import pallas as pl
from jax.experimental.pallas import tpu as pltpu
from jax.experimental.pallas import tpu_sc as plsc

N_RAW = 10000
N_PAD = 10240
E_RAW = 320000
CH = 128
N_TILES = 32
BCH = 32
CPT_A = 128
CPT_B = 32
CPT = (CPT_A + CPT_B) // 2
E_PAD = (CPT_A + CPT_B) * 16 * CH
ROWS_PER_TILE = N_PAD // 16
NG = 64
F = 128
BLK = 1024
GRID = N_PAD // BLK

_mesh = plsc.VectorSubcoreMesh(core_axis_name="c", subcore_axis_name="s")


@functools.partial(
    pl.kernel,
    mesh=_mesh,
    out_type=jax.ShapeDtypeStruct((2, N_PAD, 16), jnp.float32),
    scratch_types=[
        pltpu.VMEM((CPT, CH), jnp.int32),
        pltpu.VMEM((CH, 16), jnp.float32),
        pltpu.VMEM_SHARED((N_PAD, 16), jnp.float32),
    ],
)
def _sc_deg(dst_hbm, zeros16_hbm, out_hbm, dbuf, ones_v, acc):
    cid = lax.axis_index("c")
    sid = lax.axis_index("s")
    wid = sid * 2 + cid

    def fill(r, _):
        ones_v[r, :] = jnp.ones((16,), jnp.float32)
        return 0

    lax.fori_loop(0, CH, fill, 0)

    r0 = sid * ROWS_PER_TILE
    pltpu.sync_copy(zeros16_hbm.at[pl.ds(r0, ROWS_PER_TILE)],
                    acc.at[pl.ds(r0, ROWS_PER_TILE)])
    pltpu.sync_copy(dst_hbm.at[pl.ds(wid * CPT, CPT)], dbuf)
    plsc.subcore_barrier()

    def chunk(j, _):
        pltpu.sync_copy(ones_v, acc.at[dbuf.at[j]], add=True)
        return 0

    lax.fori_loop(0, CPT, chunk, 0)
    plsc.subcore_barrier()

    pltpu.sync_copy(acc.at[pl.ds(r0, ROWS_PER_TILE)],
                    out_hbm.at[cid, pl.ds(r0, ROWS_PER_TILE)])


@functools.partial(
    pl.kernel,
    mesh=_mesh,
    out_type=jax.ShapeDtypeStruct((2, N_PAD, F), jnp.float32),
    scratch_types=[
        pltpu.VMEM((BCH, CH), jnp.int32),
        pltpu.VMEM((BCH, CH), jnp.int32),
        pltpu.VMEM((CH, F), jnp.float32),
        pltpu.VMEM((CH, F), jnp.float32),
        pltpu.VMEM_SHARED((N_PAD, F), jnp.float32),
        pltpu.SemaphoreType.DMA,
        pltpu.SemaphoreType.DMA,
    ],
)
def _sc_agg(src_hbm, dst_hbm, g_hbm, zeros_hbm, out_hbm,
            sbuf, dbuf, rows0, rows1, acc, sem0, sem1):
    cid = lax.axis_index("c")
    sid = lax.axis_index("s")

    r0 = sid * ROWS_PER_TILE
    pltpu.sync_copy(zeros_hbm.at[pl.ds(r0, ROWS_PER_TILE)],
                    acc.at[pl.ds(r0, ROWS_PER_TILE)])
    plsc.subcore_barrier()

    nblk = jnp.where(cid == 0, CPT_A // BCH, CPT_B // BCH)
    base_chunk = jnp.where(cid == 0, sid * CPT_A,
                           16 * CPT_A + sid * CPT_B)

    def block(blk, _):
        c0 = base_chunk + blk * BCH
        pltpu.sync_copy(src_hbm.at[pl.ds(c0, BCH)], sbuf)
        pltpu.sync_copy(dst_hbm.at[pl.ds(c0, BCH)], dbuf)

        pltpu.async_copy(g_hbm.at[sbuf.at[0]], rows0, sem0)
        pltpu.async_copy(g_hbm.at[sbuf.at[1]], rows1, sem1)

        def pair(k, _):
            j0 = k * 2
            j1 = j0 + 1
            pltpu.make_async_copy(g_hbm.at[sbuf.at[j0]], rows0, sem0).wait()
            pltpu.sync_copy(rows0, acc.at[dbuf.at[j0]], add=True)

            @pl.when(j0 + 2 < BCH)
            def _():
                pltpu.async_copy(g_hbm.at[sbuf.at[j0 + 2]], rows0, sem0)

            pltpu.make_async_copy(g_hbm.at[sbuf.at[j1]], rows1, sem1).wait()
            pltpu.sync_copy(rows1, acc.at[dbuf.at[j1]], add=True)

            @pl.when(j1 + 2 < BCH)
            def _():
                pltpu.async_copy(g_hbm.at[sbuf.at[j1 + 2]], rows1, sem1)

            return 0

        lax.fori_loop(0, BCH // 2, pair, 0)
        return 0

    lax.fori_loop(0, nblk, block, 0)
    plsc.subcore_barrier()

    pltpu.sync_copy(acc.at[pl.ds(r0, ROWS_PER_TILE)],
                    out_hbm.at[cid, pl.ds(r0, ROWS_PER_TILE)])


def _dinv_of(degp_blk):
    deg = degp_blk[0] + degp_blk[1] + 1.0
    return lax.rsqrt(deg[:, :1])


def _tc_in_body(x_ref, degp_ref, w_ref, g_ref):
    dinv = _dinv_of(degp_ref[...])
    h = jnp.dot(x_ref[...], w_ref[...], preferred_element_type=jnp.float32)
    g_ref[...] = h * dinv


def _tc_mid_body(ag_ref, g_ref, degp_ref, b_ref, w_ref, out_ref):
    dinv = _dinv_of(degp_ref[...])
    ag = ag_ref[...]
    a = (ag[0] + ag[1] + g_ref[...]) * dinv + b_ref[...]
    h = jnp.maximum(a, 0.0)
    out_ref[...] = jnp.dot(h, w_ref[...],
                           preferred_element_type=jnp.float32) * dinv


def _tc_fin_body(ag_ref, g_ref, degp_ref, b_ref, batch_ref, wl_ref, bl_ref,
                 out_ref, acc_s, acc_c):
    i = pl.program_id(0)

    @pl.when(i == 0)
    def _():
        acc_s[...] = jnp.zeros_like(acc_s)
        acc_c[...] = jnp.zeros_like(acc_c)

    dinv = _dinv_of(degp_ref[...])
    ag = ag_ref[...]
    a = (ag[0] + ag[1] + g_ref[...]) * dinv + b_ref[...]
    h = jnp.maximum(a, 0.0)
    gids = lax.broadcasted_iota(jnp.int32, (BLK, NG), 1)
    onehot = (batch_ref[...] == gids).astype(jnp.float32)
    acc_s[...] = acc_s[...] + lax.dot_general(
        onehot, h, (((0,), (0,)), ((), ())),
        preferred_element_type=jnp.float32)
    acc_c[...] = acc_c[...] + jnp.sum(onehot, axis=0)[:, None]

    @pl.when(i == GRID - 1)
    def _():
        pooled = acc_s[...] / jnp.maximum(acc_c[...], 1.0)
        out_ref[...] = jnp.dot(pooled, wl_ref[...],
                               preferred_element_type=jnp.float32) + bl_ref[...]


_degp_spec = pl.BlockSpec((2, BLK, 16), lambda i: (0, i, 0))
_row_spec = pl.BlockSpec((BLK, F), lambda i: (i, 0))
_ag_spec = pl.BlockSpec((2, BLK, F), lambda i: (0, i, 0))
_w_spec = pl.BlockSpec((F, F), lambda i: (0, 0))
_b_spec = pl.BlockSpec((1, F), lambda i: (0, 0))

_tc_in = pl.pallas_call(
    _tc_in_body,
    grid=(GRID,),
    in_specs=[_row_spec, _degp_spec, _w_spec],
    out_specs=_row_spec,
    out_shape=jax.ShapeDtypeStruct((N_PAD, F), jnp.float32),
)

_tc_mid = pl.pallas_call(
    _tc_mid_body,
    grid=(GRID,),
    in_specs=[_ag_spec, _row_spec, _degp_spec, _b_spec, _w_spec],
    out_specs=_row_spec,
    out_shape=jax.ShapeDtypeStruct((N_PAD, F), jnp.float32),
)

_tc_fin = pl.pallas_call(
    _tc_fin_body,
    grid=(GRID,),
    in_specs=[
        _ag_spec, _row_spec, _degp_spec, _b_spec,
        pl.BlockSpec((BLK, 1), lambda i: (i, 0)),
        pl.BlockSpec((F, 10), lambda i: (0, 0)),
        pl.BlockSpec((1, 10), lambda i: (0, 0)),
    ],
    out_specs=pl.BlockSpec((NG, 10), lambda i: (0, 0)),
    out_shape=jax.ShapeDtypeStruct((NG, 10), jnp.float32),
    scratch_shapes=[
        pltpu.VMEM((NG, F), jnp.float32),
        pltpu.VMEM((NG, F), jnp.float32),
    ],
)


def kernel(x, edge_index, batch, W1, b1, W2, b2, Wlin, blin):
    src = edge_index[0].astype(jnp.int32)
    dst = edge_index[1].astype(jnp.int32)
    pad_e = E_PAD - E_RAW
    srcp2 = jnp.concatenate(
        [src, jnp.full((pad_e,), N_RAW, jnp.int32)]).reshape(E_PAD // CH, CH)
    dstp2 = jnp.concatenate(
        [dst, jnp.full((pad_e,), N_RAW, jnp.int32)]).reshape(E_PAD // CH, CH)
    xp = jnp.concatenate(
        [x, jnp.zeros((N_PAD - N_RAW, F), jnp.float32)], axis=0)
    batchp = jnp.concatenate(
        [batch.astype(jnp.int32), jnp.full((N_PAD - N_RAW,), NG, jnp.int32)]
    ).reshape(N_PAD, 1)
    zeros128 = jnp.zeros((N_PAD, F), jnp.float32)
    zeros16 = jnp.zeros((N_PAD, 16), jnp.float32)

    degp = _sc_deg(dstp2, zeros16)
    g1 = _tc_in(xp, degp, W1)
    ag1 = _sc_agg(srcp2, dstp2, g1, zeros128)
    g2 = _tc_mid(ag1, g1, degp, b1.reshape(1, F), W2)
    ag2 = _sc_agg(srcp2, dstp2, g2, zeros128)
    logits = _tc_fin(ag2, g2, degp, b2.reshape(1, F), batchp,
                     Wlin, blin.reshape(1, 10))
    return logits

# --- scband reference (transcript-rebuilt; emitter-appended) ---
"""Pipeline reference for scband-gcnnet-1228360647292 (READ-ONLY COPY).

The authoritative reference and input builder live on the scoring server;
editing this copy changes nothing except your own understanding.
"""

import jax, jax.numpy as jnp
import numpy as np

N_NODES = 10000
N_EDGES = 320000
IN_CH = 128
HID_CH = 128
N_CLASSES = 10
N_GRAPHS = 64


def setup_inputs(seed: int = 0) -> dict:
    key = jax.random.key(seed)
    ks = jax.random.split(key, 10)
    x = jax.random.normal(ks[0], (N_NODES, IN_CH), dtype=jnp.float32)
    edge_index = jax.random.randint(ks[1], (2, N_EDGES), 0, N_NODES, dtype=jnp.int64)
    batch = jnp.sort(jax.random.randint(ks[2], (N_NODES,), 0, N_GRAPHS, dtype=jnp.int64))
    s1 = 1.0 / np.sqrt(IN_CH)
    s2 = 1.0 / np.sqrt(HID_CH)
    W1 = jax.random.uniform(ks[3], (IN_CH, HID_CH), minval=-s1, maxval=s1, dtype=jnp.float32)
    b1 = jnp.zeros((HID_CH,), dtype=jnp.float32)
    W2 = jax.random.uniform(ks[4], (HID_CH, HID_CH), minval=-s2, maxval=s2, dtype=jnp.float32)
    b2 = jnp.zeros((HID_CH,), dtype=jnp.float32)
    Wlin = jax.random.uniform(ks[5], (HID_CH, N_CLASSES), minval=-s2, maxval=s2, dtype=jnp.float32)
    blin = jax.random.uniform(ks[6], (N_CLASSES,), minval=-s2, maxval=s2, dtype=jnp.float32)
    return {"x": x, "edge_index": edge_index, "batch": batch,
            "W1": W1, "b1": b1, "W2": W2, "b2": b2, "Wlin": Wlin, "blin": blin}


def _gcn_conv(x, edge_index, W, b, num_nodes):
    # PyG GCNConv: x' = D^{-1/2} (A + I) D^{-1/2} (X W) + b
    h = x @ W
    src = edge_index[0]
    dst = edge_index[1]
    loop = jnp.arange(num_nodes, dtype=src.dtype)
    src = jnp.concatenate([src, loop])
    dst = jnp.concatenate([dst, loop])
    deg = jax.ops.segment_sum(jnp.ones_like(dst, dtype=h.dtype), dst, num_segments=num_nodes)
    dinv = jnp.where(deg > 0, jax.lax.rsqrt(deg), 0.0)
    norm = dinv[src] * dinv[dst]
    msg = h[src] * norm[:, None]
    out = jax.ops.segment_sum(msg, dst, num_segments=num_nodes)
    return out + b


def _global_mean_pool(h, batch, num_graphs):
    sums = jax.ops.segment_sum(h, batch, num_segments=num_graphs)
    cnts = jax.ops.segment_sum(jnp.ones((h.shape[0],), dtype=h.dtype), batch, num_segments=num_graphs)
    return sums / jnp.maximum(cnts, 1.0)[:, None]


def reference(x, edge_index, batch, W1, b1, W2, b2, Wlin, blin):
    h = jax.nn.relu(_gcn_conv(x, edge_index, W1, b1, N_NODES))
    h = jax.nn.relu(_gcn_conv(h, edge_index, W2, b2, N_NODES))
    pooled = _global_mean_pool(h, batch, N_GRAPHS)
    logits = pooled @ Wlin + blin
    return logits

if __name__ == "__main__":
    import jax
    _d = setup_inputs()
    print(jax.jit(kernel)(*tuple(_d.values())))

</pallas_src>

<mosaic_0001>
#map = affine_map<(d0, d1) -> (0, 0)>
#map1 = affine_map<(d0, d1) -> (0, 0, 0)>
module attributes {stable_mosaic.version = 14 : i64} {
  func.func @_sc_agg(%arg0: i32, %arg1: i32, %arg2: memref<2560x128xi32, #tpu.memory_space<hbm>>, %arg3: memref<2560x128xi32, #tpu.memory_space<hbm>>, %arg4: memref<10240x128xf32, #tpu.memory_space<hbm>>, %arg5: memref<10240x128xf32, #tpu.memory_space<hbm>>, %arg6: memref<2x10240x128xf32, #tpu.memory_space<hbm>>, %arg7: memref<32x128xi32, #tpu.memory_space<vmem>>, %arg8: memref<32x128xi32, #tpu.memory_space<vmem>>, %arg9: memref<128x128xf32, #tpu.memory_space<vmem>>, %arg10: memref<128x128xf32, #tpu.memory_space<vmem>>, %arg11: memref<10240x128xf32, #tpu.memory_space<vmem_shared>>, %arg12: memref<!tpu.dma_semaphore, #tpu.memory_space<semaphore_mem>>, %arg13: memref<!tpu.dma_semaphore, #tpu.memory_space<semaphore_mem>>) attributes {dimension_semantics = [#tpu.dimension_semantics<core_parallel>, #tpu.dimension_semantics<subcore_parallel>], iteration_bounds = array<i64: 2, 16>, scalar_prefetch = 0 : i64, scratch_operands = 7 : i64, tpu.core_type = #tpu.core_type<sc_vector_subcore>, window_params = [{transform_indices = #map}, {transform_indices = #map}, {transform_indices = #map}, {transform_indices = #map}, {transform_indices = #map1}]} {
    %mul3A = arith.constant 640 : i32
    %mul3A_0 = arith.muli %arg1, %mul3A : i32
    "tpu.region"() ({
      %run_scoped3A = tpu.sem_alloc : memref<!tpu.dma_semaphore, #tpu.memory_space<semaphore_mem>>
      %dma_start3A = arith.constant 0 : i32
      %dma_start3A_23 = tpu.memref_slice %arg11[%mul3A_0, %dma_start3A] : memref<10240x128xf32, #tpu.memory_space<vmem_shared>> -> memref<640x128xf32, #tpu.memory_space<vmem_shared>>
      %dma_start3A_24 = arith.constant 0 : i32
      %dma_start3A_25 = tpu.memref_slice %arg5[%mul3A_0, %dma_start3A_24] : memref<10240x128xf32, #tpu.memory_space<hbm>> -> memref<640x128xf32, #tpu.memory_space<hbm>>
      tpu.enqueue_dma source(%dma_start3A_25 : memref<640x128xf32, #tpu.memory_space<hbm>>) target(%dma_start3A_23 : memref<640x128xf32, #tpu.memory_space<vmem_shared>>) target_semaphore(%run_scoped3A : memref<!tpu.dma_semaphore, #tpu.memory_space<semaphore_mem>>)
      %dma_wait3A = arith.constant 0 : i32
      %dma_wait3A_26 = tpu.memref_slice %arg11[%mul3A_0, %dma_wait3A] : memref<10240x128xf32, #tpu.memory_space<vmem_shared>> -> memref<640x128xf32, #tpu.memory_space<vmem_shared>>
      %dma_wait3A_27 = arith.constant 0 : i32
      %dma_wait3A_28 = tpu.memref_slice %arg5[%mul3A_0, %dma_wait3A_27] : memref<10240x128xf32, #tpu.memory_space<hbm>> -> memref<640x128xf32, #tpu.memory_space<hbm>>
      tpu.wait_dma2 semaphore(%run_scoped3A : memref<!tpu.dma_semaphore, #tpu.memory_space<semaphore_mem>>) src(%dma_wait3A_28 : memref<640x128xf32, #tpu.memory_space<hbm>>) dst(%dma_wait3A_26 : memref<640x128xf32, #tpu.memory_space<vmem_shared>>)
      tpu.yield
    }) : () -> ()
    %barrier3A = arith.constant 0 : index
    tpu.barrier barrier_id(%barrier3A)
    %eq3A = arith.constant 0 : i32
    %eq3A_1 = arith.cmpi eq, %arg0, %eq3A : i32
    %jit3A = arith.constant 4 : i32
    %jit3A_2 = arith.constant 1 : i32
    %select_n3A = arith.select %eq3A_1, %jit3A, %jit3A_2 : i32
    %eq3A_3 = arith.constant 0 : i32
    %eq3A_4 = arith.cmpi eq, %arg0, %eq3A_3 : i32
    %mul3A_5 = arith.constant 128 : i32
    %mul3A_6 = arith.muli %arg1, %mul3A_5 : i32
    %mul3A_7 = arith.constant 32 : i32
    %mul3A_8 = arith.muli %arg1, %mul3A_7 : i32
    %add3A = arith.constant 2048 : i32
    %add3A_9 = arith.addi %add3A, %mul3A_8 : i32
    %select_n3A_10 = arith.select %eq3A_4, %mul3A_6, %add3A_9 : i32
    %while3A = arith.constant 0 : i32
    %while3A_11 = arith.constant 0 : i32
    %while3A_12 = arith.subi %select_n3A, %while3A : i32
    %while3A_13 = arith.addi %while3A, %while3A_12 : i32
    %while3A_14 = arith.constant 1 : i32
    %while3A_15 = arith.divsi %while3A_12, %while3A_14 : i32
    %while3A_16 = arith.muli %while3A_15, %while3A_14 : i32
    %while3A_17 = arith.addi %while3A, %while3A_16 : i32
    %while3A_18 = arith.constant 1 : i32
    %while3A_19 = scf.for %while3A_23 = %while3A to %while3A_17 step %while3A_18 iter_args(%while3A_24 = %while3A_11) -> (i32)  : i32 {
      %mul3A_25 = arith.constant 32 : i32
      %mul3A_26 = arith.muli %while3A_23, %mul3A_25 : i32
      %add3A_27 = arith.addi %select_n3A_10, %mul3A_26 : i32
      "tpu.region"() ({
        %run_scoped3A = tpu.sem_alloc : memref<!tpu.dma_semaphore, #tpu.memory_space<semaphore_mem>>
        %dma_start3A_48 = arith.constant 0 : i32
        %dma_start3A_49 = tpu.memref_slice %arg2[%add3A_27, %dma_start3A_48] : memref<2560x128xi32, #tpu.memory_space<hbm>> -> memref<32x128xi32, #tpu.memory_space<hbm>>
        %dma_start3A_50 = arith.constant 0 : i32
        %dma_start3A_51 = tpu.memref_slice %arg2[%add3A_27, %dma_start3A_50] : memref<2560x128xi32, #tpu.memory_space<hbm>> -> memref<32x128xi32, #tpu.memory_space<hbm>>
        tpu.enqueue_dma source(%dma_start3A_51 : memref<32x128xi32, #tpu.memory_space<hbm>>) target(%arg7 : memref<32x128xi32, #tpu.memory_space<vmem>>) target_semaphore(%run_scoped3A : memref<!tpu.dma_semaphore, #tpu.memory_space<semaphore_mem>>)
        %dma_wait3A = arith.constant 0 : i32
        %dma_wait3A_52 = tpu.memref_slice %arg2[%add3A_27, %dma_wait3A] : memref<2560x128xi32, #tpu.memory_space<hbm>> -> memref<32x128xi32, #tpu.memory_space<hbm>>
        %dma_wait3A_53 = arith.constant 0 : i32
        %dma_wait3A_54 = tpu.memref_slice %arg2[%add3A_27, %dma_wait3A_53] : memref<2560x128xi32, #tpu.memory_space<hbm>> -> memref<32x128xi32, #tpu.memory_space<hbm>>
        tpu.wait_dma2 semaphore(%run_scoped3A : memref<!tpu.dma_semaphore, #tpu.memory_space<semaphore_mem>>) src(%dma_wait3A_54 : memref<32x128xi32, #tpu.memory_space<hbm>>) dst(%arg7 : memref<32x128xi32, #tpu.memory_space<vmem>>)
        tpu.yield
      }) : () -> ()
      "tpu.region"() ({
        %run_scoped3A = tpu.sem_alloc : memref<!tpu.dma_semaphore, #tpu.memory_space<semaphore_mem>>
        %dma_start3A_48 = arith.constant 0 : i32
        %dma_start3A_49 = tpu.memref_slice %arg3[%add3A_27, %dma_start3A_48] : memref<2560x128xi32, #tpu.memory_space<hbm>> -> memref<32x128xi32, #tpu.memory_space<hbm>>
        %dma_start3A_50 = arith.constant 0 : i32
        %dma_start3A_51 = tpu.memref_slice %arg3[%add3A_27, %dma_start3A_50] : memref<2560x128xi32, #tpu.memory_space<hbm>> -> memref<32x128xi32, #tpu.memory_space<hbm>>
        tpu.enqueue_dma source(%dma_start3A_51 : memref<32x128xi32, #tpu.memory_space<hbm>>) target(%arg8 : memref<32x128xi32, #tpu.memory_space<vmem>>) target_semaphore(%run_scoped3A : memref<!tpu.dma_semaphore, #tpu.memory_space<semaphore_mem>>)
        %dma_wait3A = arith.constant 0 : i32
        %dma_wait3A_52 = tpu.memref_slice %arg3[%add3A_27, %dma_wait3A] : memref<2560x128xi32, #tpu.memory_space<hbm>> -> memref<32x128xi32, #tpu.memory_space<hbm>>
        %dma_wait3A_53 = arith.constant 0 : i32
        %dma_wait3A_54 = tpu.memref_slice %arg3[%add3A_27, %dma_wait3A_53] : memref<2560x128xi32, #tpu.memory_space<hbm>> -> memref<32x128xi32, #tpu.memory_space<hbm>>
        tpu.wait_dma2 semaphore(%run_scoped3A : memref<!tpu.dma_semaphore, #tpu.memory_space<semaphore_mem>>) src(%dma_wait3A_54 : memref<32x128xi32, #tpu.memory_space<hbm>>) dst(%arg8 : memref<32x128xi32, #tpu.memory_space<vmem>>)
        tpu.yield
      }) : () -> ()
      %dma_start3A = arith.constant 0 : i32
      %dma_start3A_28 = arith.constant 0 : i32
      %dma_start3A_29 = tpu.memref_slice %arg7[%dma_start3A, %dma_start3A_28] : memref<32x128xi32, #tpu.memory_space<vmem>> -> memref<1x128xi32, #tpu.memory_space<vmem>>
      %dma_start3A_30 = tpu.memref_squeeze %dma_start3A_29 : memref<1x128xi32, #tpu.memory_space<vmem>> -> memref<128xi32, #tpu.memory_space<vmem>>
      %dma_start3A_31 = arith.constant 0 : i32
      %dma_start3A_32 = arith.constant 0 : i32
      %dma_start3A_33 = tpu.memref_slice %arg4[%dma_start3A_31, %dma_start3A_32] : memref<10240x128xf32, #tpu.memory_space<hbm>> -> memref<10240x128xf32, #tpu.memory_space<hbm>>
      tpu.enqueue_indirect_dma source(%dma_start3A_33 : memref<10240x128xf32, #tpu.memory_space<hbm>>) target(%arg9 : memref<128x128xf32, #tpu.memory_space<vmem>>) offsets(%dma_start3A_30 : memref<128xi32, #tpu.memory_space<vmem>>) semaphore(%arg12 : memref<!tpu.dma_semaphore, #tpu.memory_space<semaphore_mem>>)
      %dma_start3A_34 = arith.constant 1 : i32
      %dma_start3A_35 = arith.constant 0 : i32
      %dma_start3A_36 = tpu.memref_slice %arg7[%dma_start3A_34, %dma_start3A_35] : memref<32x128xi32, #tpu.memory_space<vmem>> -> memref<1x128xi32, #tpu.memory_space<vmem>>
      %dma_start3A_37 = tpu.memref_squeeze %dma_start3A_36 : memref<1x128xi32, #tpu.memory_space<vmem>> -> memref<128xi32, #tpu.memory_space<vmem>>
      %dma_start3A_38 = arith.constant 0 : i32
      %dma_start3A_39 = arith.constant 0 : i32
      %dma_start3A_40 = tpu.memref_slice %arg4[%dma_start3A_38, %dma_start3A_39] : memref<10240x128xf32, #tpu.memory_space<hbm>> -> memref<10240x128xf32, #tpu.memory_space<hbm>>
      tpu.enqueue_indirect_dma source(%dma_start3A_40 : memref<10240x128xf32, #tpu.memory_space<hbm>>) target(%arg10 : memref<128x128xf32, #tpu.memory_space<vmem>>) offsets(%dma_start3A_37 : memref<128xi32, #tpu.memory_space<vmem>>) semaphore(%arg13 : memref<!tpu.dma_semaphore, #tpu.memory_space<semaphore_mem>>)
      %scan3A = arith.constant 0 : i32
      %scan3A_41 = arith.constant 0 : i32
      %scan3A_42 = arith.constant 16 : i32
      %scan3A_43 = arith.addi %scan3A_41, %scan3A_42 : i32
      %scan3A_44 = arith.constant 1 : i32
      %scan3A_45 = scf.for %scan3A_48 = %scan3A_41 to %scan3A_43 step %scan3A_44 iter_args(%scan3A_49 = %scan3A) -> (i32)  : i32 {
        %mul3A_50 = arith.constant 2 : i32
        %mul3A_51 = arith.muli %scan3A_48, %mul3A_50 : i32
        %add3A_52 = arith.constant 1 : i32
        %add3A_53 = arith.addi %mul3A_51, %add3A_52 : i32
        %dma_wait3A = arith.constant 0 : i32
        %dma_wait3A_54 = tpu.memref_slice %arg7[%mul3A_51, %dma_wait3A] : memref<32x128xi32, #tpu.memory_space<vmem>> -> memref<1x128xi32, #tpu.memory_space<vmem>>
        %dma_wait3A_55 = tpu.memref_squeeze %dma_wait3A_54 : memref<1x128xi32, #tpu.memory_space<vmem>> -> memref<128xi32, #tpu.memory_space<vmem>>
        %dma_wait3A_56 = arith.constant 0 : i32
        %dma_wait3A_57 = arith.constant 0 : i32
        %dma_wait3A_58 = tpu.memref_slice %arg4[%dma_wait3A_56, %dma_wait3A_57] : memref<10240x128xf32, #tpu.memory_space<hbm>> -> memref<10240x128xf32, #tpu.memory_space<hbm>>
        tpu.wait_indirect_dma semaphore(%arg12 : memref<!tpu.dma_semaphore, #tpu.memory_space<semaphore_mem>>) src(%dma_wait3A_58 : memref<10240x128xf32, #tpu.memory_space<hbm>>) dst(%arg9 : memref<128x128xf32, #tpu.memory_space<vmem>>)
        "tpu.region"() ({
          %run_scoped3A = tpu.sem_alloc : memref<!tpu.dma_semaphore, #tpu.memory_space<semaphore_mem>>
          %dma_start3A_77 = arith.constant 0 : i32
          %dma_start3A_78 = tpu.memref_slice %arg8[%mul3A_51, %dma_start3A_77] : memref<32x128xi32, #tpu.memory_space<vmem>> -> memref<1x128xi32, #tpu.memory_space<vmem>>
          %dma_start3A_79 = tpu.memref_squeeze %dma_start3A_78 : memref<1x128xi32, #tpu.memory_space<vmem>> -> memref<128xi32, #tpu.memory_space<vmem>>
          %dma_start3A_80 = arith.constant 0 : i32
          %dma_start3A_81 = arith.constant 0 : i32
          %dma_start3A_82 = tpu.memref_slice %arg11[%dma_start3A_80, %dma_start3A_81] : memref<10240x128xf32, #tpu.memory_space<vmem_shared>> -> memref<10240x128xf32, #tpu.memory_space<vmem_shared>>
          tpu.enqueue_indirect_dma source(%arg9 : memref<128x128xf32, #tpu.memory_space<vmem>>) target(%dma_start3A_82 : memref<10240x128xf32, #tpu.memory_space<vmem_shared>>) offsets(%dma_start3A_79 : memref<128xi32, #tpu.memory_space<vmem>>) semaphore(%run_scoped3A : memref<!tpu.dma_semaphore, #tpu.memory_space<semaphore_mem>>) {add = true}
          %dma_wait3A_83 = arith.constant 0 : i32
          %dma_wait3A_84 = tpu.memref_slice %arg8[%mul3A_51, %dma_wait3A_83] : memref<32x128xi32, #tpu.memory_space<vmem>> -> memref<1x128xi32, #tpu.memory_space<vmem>>
          %dma_wait3A_85 = tpu.memref_squeeze %dma_wait3A_84 : memref<1x128xi32, #tpu.memory_space<vmem>> -> memref<128xi32, #tpu.memory_space<vmem>>
          %dma_wait3A_86 = arith.constant 0 : i32
          %dma_wait3A_87 = arith.constant 0 : i32
          %dma_wait3A_88 = tpu.memref_slice %arg11[%dma_wait3A_86, %dma_wait3A_87] : memref<10240x128xf32, #tpu.memory_space<vmem_shared>> -> memref<10240x128xf32, #tpu.memory_space<vmem_shared>>
          tpu.wait_indirect_dma semaphore(%run_scoped3A : memref<!tpu.dma_semaphore, #tpu.memory_space<semaphore_mem>>) src(%arg9 : memref<128x128xf32, #tpu.memory_space<vmem>>) dst(%dma_wait3A_88 : memref<10240x128xf32, #tpu.memory_space<vmem_shared>>)
          tpu.yield
        }) : () -> ()
        %add3A_59 = arith.constant 2 : i32
        %add3A_60 = arith.addi %mul3A_51, %add3A_59 : i32
        %lt3A = arith.constant 32 : i32
        %lt3A_61 = arith.cmpi slt, %add3A_60, %lt3A : i32
        %convert_element_type3A = arith.extui %lt3A_61 : i1 to i32
        %cond3A = arith.constant 0 : i32
        %cond3A_62 = arith.cmpi ne, %convert_element_type3A, %cond3A : i32
        scf.if %cond3A_62 {
          %add3A_77 = arith.constant 2 : i32
          %add3A_78 = arith.addi %mul3A_51, %add3A_77 : i32
          %dma_start3A_79 = arith.constant 0 : i32
          %dma_start3A_80 = tpu.memref_slice %arg7[%add3A_78, %dma_start3A_79] : memref<32x128xi32, #tpu.memory_space<vmem>> -> memref<1x128xi32, #tpu.memory_space<vmem>>
          %dma_start3A_81 = tpu.memref_squeeze %dma_start3A_80 : memref<1x128xi32, #tpu.memory_space<vmem>> -> memref<128xi32, #tpu.memory_space<vmem>>
          %dma_start3A_82 = arith.constant 0 : i32
          %dma_start3A_83 = arith.constant 0 : i32
          %dma_start3A_84 = tpu.memref_slice %arg4[%dma_start3A_82, %dma_start3A_83] : memref<10240x128xf32, #tpu.memory_space<hbm>> -> memref<10240x128xf32, #tpu.memory_space<hbm>>
          tpu.enqueue_indirect_dma source(%dma_start3A_84 : memref<10240x128xf32, #tpu.memory_space<hbm>>) target(%arg9 : memref<128x128xf32, #tpu.memory_space<vmem>>) offsets(%dma_start3A_81 : memref<128xi32, #tpu.memory_space<vmem>>) semaphore(%arg12 : memref<!tpu.dma_semaphore, #tpu.memory_space<semaphore_mem>>)
        } else {
        }
        %dma_wait3A_63 = arith.constant 0 : i32
        %dma_wait3A_64 = tpu.memref_slice %arg7[%add3A_53, %dma_wait3A_63] : memref<32x128xi32, #tpu.memory_space<vmem>> -> memref<1x128xi32, #tpu.memory_space<vmem>>
        %dma_wait3A_65 = tpu.memref_squeeze %dma_wait3A_64 : memref<1x128xi32, #tpu.memory_space<vmem>> -> memref<128xi32, #tpu.memory_space<vmem>>
        %dma_wait3A_66 = arith.constant 0 : i32
        %dma_wait3A_67 = arith.constant 0 : i32
        %dma_wait3A_68 = tpu.memref_slice %arg4[%dma_wait3A_66, %dma_wait3A_67] : memref<10240x128xf32, #tpu.memory_space<hbm>> -> memref<10240x128xf32, #tpu.memory_space<hbm>>
        tpu.wait_indirect_dma semaphore(%arg13 : memref<!tpu.dma_semaphore, #tpu.memory_space<semaphore_mem>>) src(%dma_wait3A_68 : memref<10240x128xf32, #tpu.memory_space<hbm>>) dst(%arg10 : memref<128x128xf32, #tpu.memory_space<vmem>>)
        "tpu.region"() ({
          %run_scoped3A = tpu.sem_alloc : memref<!tpu.dma_semaphore, #tpu.memory_space<semaphore_mem>>
          %dma_start3A_77 = arith.constant 0 : i32
          %dma_start3A_78 = tpu.memref_slice %arg8[%add3A_53, %dma_start3A_77] : memref<32x128xi32, #tpu.memory_space<vmem>> -> memref<1x128xi32, #tpu.memory_space<vmem>>
          %dma_start3A_79 = tpu.memref_squeeze %dma_start3A_78 : memref<1x128xi32, #tpu.memory_space<vmem>> -> memref<128xi32, #tpu.memory_space<vmem>>
          %dma_start3A_80 = arith.constant 0 : i32
          %dma_start3A_81 = arith.constant 0 : i32
          %dma_start3A_82 = tpu.memref_slice %arg11[%dma_start3A_80, %dma_start3A_81] : memref<10240x128xf32, #tpu.memory_space<vmem_shared>> -> memref<10240x128xf32, #tpu.memory_space<vmem_shared>>
          tpu.enqueue_indirect_dma source(%arg10 : memref<128x128xf32, #tpu.memory_space<vmem>>) target(%dma_start3A_82 : memref<10240x128xf32, #tpu.memory_space<vmem_shared>>) offsets(%dma_start3A_79 : memref<128xi32, #tpu.memory_space<vmem>>) semaphore(%run_scoped3A : memref<!tpu.dma_semaphore, #tpu.memory_space<semaphore_mem>>) {add = true}
          %dma_wait3A_83 = arith.constant 0 : i32
          %dma_wait3A_84 = tpu.memref_slice %arg8[%add3A_53, %dma_wait3A_83] : memref<32x128xi32, #tpu.memory_space<vmem>> -> memref<1x128xi32, #tpu.memory_space<vmem>>
          %dma_wait3A_85 = tpu.memref_squeeze %dma_wait3A_84 : memref<1x128xi32, #tpu.memory_space<vmem>> -> memref<128xi32, #tpu.memory_space<vmem>>
          %dma_wait3A_86 = arith.constant 0 : i32
          %dma_wait3A_87 = arith.constant 0 : i32
          %dma_wait3A_88 = tpu.memref_slice %arg11[%dma_wait3A_86, %dma_wait3A_87] : memref<10240x128xf32, #tpu.memory_space<vmem_shared>> -> memref<10240x128xf32, #tpu.memory_space<vmem_shared>>
          tpu.wait_indirect_dma semaphore(%run_scoped3A : memref<!tpu.dma_semaphore, #tpu.memory_space<semaphore_mem>>) src(%arg10 : memref<128x128xf32, #tpu.memory_space<vmem>>) dst(%dma_wait3A_88 : memref<10240x128xf32, #tpu.memory_space<vmem_shared>>)
          tpu.yield
        }) : () -> ()
        %add3A_69 = arith.constant 2 : i32
        %add3A_70 = arith.addi %add3A_53, %add3A_69 : i32
        %lt3A_71 = arith.constant 32 : i32
        %lt3A_72 = arith.cmpi slt, %add3A_70, %lt3A_71 : i32
        %convert_element_type3A_73 = arith.extui %lt3A_72 : i1 to i32
        %cond3A_74 = arith.constant 0 : i32
        %cond3A_75 = arith.cmpi ne, %convert_element_type3A_73, %cond3A_74 : i32
        scf.if %cond3A_75 {
          %add3A_77 = arith.constant 2 : i32
          %add3A_78 = arith.addi %add3A_53, %add3A_77 : i32
          %dma_start3A_79 = arith.constant 0 : i32
          %dma_start3A_80 = tpu.memref_slice %arg7[%add3A_78, %dma_start3A_79] : memref<32x128xi32, #tpu.memory_space<vmem>> -> memref<1x128xi32, #tpu.memory_space<vmem>>
          %dma_start3A_81 = tpu.memref_squeeze %dma_start3A_80 : memref<1x128xi32, #tpu.memory_space<vmem>> -> memref<128xi32, #tpu.memory_space<vmem>>
          %dma_start3A_82 = arith.constant 0 : i32
          %dma_start3A_83 = arith.constant 0 : i32
          %dma_start3A_84 = tpu.memref_slice %arg4[%dma_start3A_82, %dma_start3A_83] : memref<10240x128xf32, #tpu.memory_space<hbm>> -> memref<10240x128xf32, #tpu.memory_space<hbm>>
          tpu.enqueue_indirect_dma source(%dma_start3A_84 : memref<10240x128xf32, #tpu.memory_space<hbm>>) target(%arg10 : memref<128x128xf32, #tpu.memory_space<vmem>>) offsets(%dma_start3A_81 : memref<128xi32, #tpu.memory_space<vmem>>) semaphore(%arg13 : memref<!tpu.dma_semaphore, #tpu.memory_space<semaphore_mem>>)
        } else {
        }
        %scan3A_76 = arith.constant 0 : i32
        scf.yield %scan3A_76 : i32
      }
      %scan3A_46 = arith.constant 16 : i32
      %while3A_47 = arith.constant 0 : i32
      scf.yield %while3A_47 : i32
    }
    %while3A_20 = arith.constant 1 : i32
    %while3A_21 = scf.for %while3A_23 = %while3A_17 to %while3A_13 step %while3A_20 iter_args(%while3A_24 = %while3A_19) -> (i32)  : i32 {
      %mul3A_25 = arith.constant 32 : i32
      %mul3A_26 = arith.muli %while3A_23, %mul3A_25 : i32
      %add3A_27 = arith.addi %select_n3A_10, %mul3A_26 : i32
      "tpu.region"() ({
        %run_scoped3A = tpu.sem_alloc : memref<!tpu.dma_semaphore, #tpu.memory_space<semaphore_mem>>
        %dma_start3A_48 = arith.constant 0 : i32
        %dma_start3A_49 = tpu.memref_slice %arg2[%add3A_27, %dma_start3A_48] : memref<2560x128xi32, #tpu.memory_space<hbm>> -> memref<32x128xi32, #tpu.memory_space<hbm>>
        %dma_start3A_50 = arith.constant 0 : i32
        %dma_start3A_51 = tpu.memref_slice %arg2[%add3A_27, %dma_start3A_50] : memref<2560x128xi32, #tpu.memory_space<hbm>> -> memref<32x128xi32, #tpu.memory_space<hbm>>
        tpu.enqueue_dma source(%dma_start3A_51 : memref<32x128xi32, #tpu.memory_space<hbm>>) target(%arg7 : memref<32x128xi32, #tpu.memory_space<vmem>>) target_semaphore(%run_scoped3A : memref<!tpu.dma_semaphore, #tpu.memory_space<semaphore_mem>>)
        %dma_wait3A = arith.constant 0 : i32
        %dma_wait3A_52 = tpu.memref_slice %arg2[%add3A_27, %dma_wait3A] : memref<2560x128xi32, #tpu.memory_space<hbm>> -> memref<32x128xi32, #tpu.memory_space<hbm>>
        %dma_wait3A_53 = arith.constant 0 : i32
        %dma_wait3A_54 = tpu.memref_slice %arg2[%add3A_27, %dma_wait3A_53] : memref<2560x128xi32, #tpu.memory_space<hbm>> -> memref<32x128xi32, #tpu.memory_space<hbm>>
        tpu.wait_dma2 semaphore(%run_scoped3A : memref<!tpu.dma_semaphore, #tpu.memory_space<semaphore_mem>>) src(%dma_wait3A_54 : memref<32x128xi32, #tpu.memory_space<hbm>>) dst(%arg7 : memref<32x128xi32, #tpu.memory_space<vmem>>)
        tpu.yield
      }) : () -> ()
      "tpu.region"() ({
        %run_scoped3A = tpu.sem_alloc : memref<!tpu.dma_semaphore, #tpu.memory_space<semaphore_mem>>
        %dma_start3A_48 = arith.constant 0 : i32
        %dma_start3A_49 = tpu.memref_slice %arg3[%add3A_27, %dma_start3A_48] : memref<2560x128xi32, #tpu.memory_space<hbm>> -> memref<32x128xi32, #tpu.memory_space<hbm>>
        %dma_start3A_50 = arith.constant 0 : i32
        %dma_start3A_51 = tpu.memref_slice %arg3[%add3A_27, %dma_start3A_50] : memref<2560x128xi32, #tpu.memory_space<hbm>> -> memref<32x128xi32, #tpu.memory_space<hbm>>
        tpu.enqueue_dma source(%dma_start3A_51 : memref<32x128xi32, #tpu.memory_space<hbm>>) target(%arg8 : memref<32x128xi32, #tpu.memory_space<vmem>>) target_semaphore(%run_scoped3A : memref<!tpu.dma_semaphore, #tpu.memory_space<semaphore_mem>>)
        %dma_wait3A = arith.constant 0 : i32
        %dma_wait3A_52 = tpu.memref_slice %arg3[%add3A_27, %dma_wait3A] : memref<2560x128xi32, #tpu.memory_space<hbm>> -> memref<32x128xi32, #tpu.memory_space<hbm>>
        %dma_wait3A_53 = arith.constant 0 : i32
        %dma_wait3A_54 = tpu.memref_slice %arg3[%add3A_27, %dma_wait3A_53] : memref<2560x128xi32, #tpu.memory_space<hbm>> -> memref<32x128xi32, #tpu.memory_space<hbm>>
        tpu.wait_dma2 semaphore(%run_scoped3A : memref<!tpu.dma_semaphore, #tpu.memory_space<semaphore_mem>>) src(%dma_wait3A_54 : memref<32x128xi32, #tpu.memory_space<hbm>>) dst(%arg8 : memref<32x128xi32, #tpu.memory_space<vmem>>)
        tpu.yield
      }) : () -> ()
      %dma_start3A = arith.constant 0 : i32
      %dma_start3A_28 = arith.constant 0 : i32
      %dma_start3A_29 = tpu.memref_slice %arg7[%dma_start3A, %dma_start3A_28] : memref<32x128xi32, #tpu.memory_space<vmem>> -> memref<1x128xi32, #tpu.memory_space<vmem>>
      %dma_start3A_30 = tpu.memref_squeeze %dma_start3A_29 : memref<1x128xi32, #tpu.memory_space<vmem>> -> memref<128xi32, #tpu.memory_space<vmem>>
      %dma_start3A_31 = arith.constant 0 : i32
      %dma_start3A_32 = arith.constant 0 : i32
      %dma_start3A_33 = tpu.memref_slice %arg4[%dma_start3A_31, %dma_start3A_32] : memref<10240x128xf32, #tpu.memory_space<hbm>> -> memref<10240x128xf32, #tpu.memory_space<hbm>>
      tpu.enqueue_indirect_dma source(%dma_start3A_33 : memref<10240x128xf32, #tpu.memory_space<hbm>>) target(%arg9 : memref<128x128xf32, #tpu.memory_space<vmem>>) offsets(%dma_start3A_30 : memref<128xi32, #tpu.memory_space<vmem>>) semaphore(%arg12 : memref<!tpu.dma_semaphore, #tpu.memory_space<semaphore_mem>>)
      %dma_start3A_34 = arith.constant 1 : i32
      %dma_start3A_35 = arith.constant 0 : i32
      %dma_start3A_36 = tpu.memref_slice %arg7[%dma_start3A_34, %dma_start3A_35] : memref<32x128xi32, #tpu.memory_space<vmem>> -> memref<1x128xi32, #tpu.memory_space<vmem>>
      %dma_start3A_37 = tpu.memref_squeeze %dma_start3A_36 : memref<1x128xi32, #tpu.memory_space<vmem>> -> memref<128xi32, #tpu.memory_space<vmem>>
      %dma_start3A_38 = arith.constant 0 : i32
      %dma_start3A_39 = arith.constant 0 : i32
      %dma_start3A_40 = tpu.memref_slice %arg4[%dma_start3A_38, %dma_start3A_39] : memref<10240x128xf32, #tpu.memory_space<hbm>> -> memref<10240x128xf32, #tpu.memory_space<hbm>>
      tpu.enqueue_indirect_dma source(%dma_start3A_40 : memref<10240x128xf32, #tpu.memory_space<hbm>>) target(%arg10 : memref<128x128xf32, #tpu.memory_space<vmem>>) offsets(%dma_start3A_37 : memref<128xi32, #tpu.memory_space<vmem>>) semaphore(%arg13 : memref<!tpu.dma_semaphore, #tpu.memory_space<semaphore_mem>>)
      %scan3A = arith.constant 0 : i32
      %scan3A_41 = arith.constant 0 : i32
      %scan3A_42 = arith.constant 16 : i32
      %scan3A_43 = arith.addi %scan3A_41, %scan3A_42 : i32
      %scan3A_44 = arith.constant 1 : i32
      %scan3A_45 = scf.for %scan3A_48 = %scan3A_41 to %scan3A_43 step %scan3A_44 iter_args(%scan3A_49 = %scan3A) -> (i32)  : i32 {
        %mul3A_50 = arith.constant 2 : i32
        %mul3A_51 = arith.muli %scan3A_48, %mul3A_50 : i32
        %add3A_52 = arith.constant 1 : i32
        %add3A_53 = arith.addi %mul3A_51, %add3A_52 : i32
        %dma_wait3A = arith.constant 0 : i32
        %dma_wait3A_54 = tpu.memref_slice %arg7[%mul3A_51, %dma_wait3A] : memref<32x128xi32, #tpu.memory_space<vmem>> -> memref<1x128xi32, #tpu.memory_space<vmem>>
        %dma_wait3A_55 = tpu.memref_squeeze %dma_wait3A_54 : memref<1x128xi32, #tpu.memory_space<vmem>> -> memref<128xi32, #tpu.memory_space<vmem>>
        %dma_wait3A_56 = arith.constant 0 : i32
        %dma_wait3A_57 = arith.constant 0 : i32
        %dma_wait3A_58 = tpu.memref_slice %arg4[%dma_wait3A_56, %dma_wait3A_57] : memref<10240x128xf32, #tpu.memory_space<hbm>> -> memref<10240x128xf32, #tpu.memory_space<hbm>>
        tpu.wait_indirect_dma semaphore(%arg12 : memref<!tpu.dma_semaphore, #tpu.memory_space<semaphore_mem>>) src(%dma_wait3A_58 : memref<10240x128xf32, #tpu.memory_space<hbm>>) dst(%arg9 : memref<128x128xf32, #tpu.memory_space<vmem>>)
        "tpu.region"() ({
          %run_scoped3A = tpu.sem_alloc : memref<!tpu.dma_semaphore, #tpu.memory_space<semaphore_mem>>
          %dma_start3A_77 = arith.constant 0 : i32
          %dma_start3A_78 = tpu.memref_slice %arg8[%mul3A_51, %dma_start3A_77] : memref<32x128xi32, #tpu.memory_space<vmem>> -> memref<1x128xi32, #tpu.memory_space<vmem>>
          %dma_start3A_79 = tpu.memref_squeeze %dma_start3A_78 : memref<1x128xi32, #tpu.memory_space<vmem>> -> memref<128xi32, #tpu.memory_space<vmem>>
          %dma_start3A_80 = arith.constant 0 : i32
          %dma_start3A_81 = arith.constant 0 : i32
          %dma_start3A_82 = tpu.memref_slice %arg11[%dma_start3A_80, %dma_start3A_81] : memref<10240x128xf32, #tpu.memory_space<vmem_shared>> -> memref<10240x128xf32, #tpu.memory_space<vmem_shared>>
          tpu.enqueue_indirect_dma source(%arg9 : memref<128x128xf32, #tpu.memory_space<vmem>>) target(%dma_start3A_82 : memref<10240x128xf32, #tpu.memory_space<vmem_shared>>) offsets(%dma_start3A_79 : memref<128xi32, #tpu.memory_space<vmem>>) semaphore(%run_scoped3A : memref<!tpu.dma_semaphore, #tpu.memory_space<semaphore_mem>>) {add = true}
          %dma_wait3A_83 = arith.constant 0 : i32
          %dma_wait3A_84 = tpu.memref_slice %arg8[%mul3A_51, %dma_wait3A_83] : memref<32x128xi32, #tpu.memory_space<vmem>> -> memref<1x128xi32, #tpu.memory_space<vmem>>
          %dma_wait3A_85 = tpu.memref_squeeze %dma_wait3A_84 : memref<1x128xi32, #tpu.memory_space<vmem>> -> memref<128xi32, #tpu.memory_space<vmem>>
          %dma_wait3A_86 = arith.constant 0 : i32
          %dma_wait3A_87 = arith.constant 0 : i32
          %dma_wait3A_88 = tpu.memref_slice %arg11[%dma_wait3A_86, %dma_wait3A_87] : memref<10240x128xf32, #tpu.memory_space<vmem_shared>> -> memref<10240x128xf32, #tpu.memory_space<vmem_shared>>
          tpu.wait_indirect_dma semaphore(%run_scoped3A : memref<!tpu.dma_semaphore, #tpu.memory_space<semaphore_mem>>) src(%arg9 : memref<128x128xf32, #tpu.memory_space<vmem>>) dst(%dma_wait3A_88 : memref<10240x128xf32, #tpu.memory_space<vmem_shared>>)
          tpu.yield
        }) : () -> ()
        %add3A_59 = arith.constant 2 : i32
        %add3A_60 = arith.addi %mul3A_51, %add3A_59 : i32
        %lt3A = arith.constant 32 : i32
        %lt3A_61 = arith.cmpi slt, %add3A_60, %lt3A : i32
        %convert_element_type3A = arith.extui %lt3A_61 : i1 to i32
        %cond3A = arith.constant 0 : i32
        %cond3A_62 = arith.cmpi ne, %convert_element_type3A, %cond3A : i32
        scf.if %cond3A_62 {
          %add3A_77 = arith.constant 2 : i32
          %add3A_78 = arith.addi %mul3A_51, %add3A_77 : i32
          %dma_start3A_79 = arith.constant 0 : i32
          %dma_start3A_80 = tpu.memref_slice %arg7[%add3A_78, %dma_start3A_79] : memref<32x128xi32, #tpu.memory_space<vmem>> -> memref<1x128xi32, #tpu.memory_space<vmem>>
          %dma_start3A_81 = tpu.memref_squeeze %dma_start3A_80 : memref<1x128xi32, #tpu.memory_space<vmem>> -> memref<128xi32, #tpu.memory_space<vmem>>
          %dma_start3A_82 = arith.constant 0 : i32
          %dma_start3A_83 = arith.constant 0 : i32
          %dma_start3A_84 = tpu.memref_slice %arg4[%dma_start3A_82, %dma_start3A_83] : memref<10240x128xf32, #tpu.memory_space<hbm>> -> memref<10240x128xf32, #tpu.memory_space<hbm>>
          tpu.enqueue_indirect_dma source(%dma_start3A_84 : memref<10240x128xf32, #tpu.memory_space<hbm>>) target(%arg9 : memref<128x128xf32, #tpu.memory_space<vmem>>) offsets(%dma_start3A_81 : memref<128xi32, #tpu.memory_space<vmem>>) semaphore(%arg12 : memref<!tpu.dma_semaphore, #tpu.memory_space<semaphore_mem>>)
        } else {
        }
        %dma_wait3A_63 = arith.constant 0 : i32
        %dma_wait3A_64 = tpu.memref_slice %arg7[%add3A_53, %dma_wait3A_63] : memref<32x128xi32, #tpu.memory_space<vmem>> -> memref<1x128xi32, #tpu.memory_space<vmem>>
        %dma_wait3A_65 = tpu.memref_squeeze %dma_wait3A_64 : memref<1x128xi32, #tpu.memory_space<vmem>> -> memref<128xi32, #tpu.memory_space<vmem>>
        %dma_wait3A_66 = arith.constant 0 : i32
        %dma_wait3A_67 = arith.constant 0 : i32
        %dma_wait3A_68 = tpu.memref_slice %arg4[%dma_wait3A_66, %dma_wait3A_67] : memref<10240x128xf32, #tpu.memory_space<hbm>> -> memref<10240x128xf32, #tpu.memory_space<hbm>>
        tpu.wait_indirect_dma semaphore(%arg13 : memref<!tpu.dma_semaphore, #tpu.memory_space<semaphore_mem>>) src(%dma_wait3A_68 : memref<10240x128xf32, #tpu.memory_space<hbm>>) dst(%arg10 : memref<128x128xf32, #tpu.memory_space<vmem>>)
        "tpu.region"() ({
          %run_scoped3A = tpu.sem_alloc : memref<!tpu.dma_semaphore, #tpu.memory_space<semaphore_mem>>
          %dma_start3A_77 = arith.constant 0 : i32
          %dma_start3A_78 = tpu.memref_slice %arg8[%add3A_53, %dma_start3A_77] : memref<32x128xi32, #tpu.memory_space<vmem>> -> memref<1x128xi32, #tpu.memory_space<vmem>>
          %dma_start3A_79 = tpu.memref_squeeze %dma_start3A_78 : memref<1x128xi32, #tpu.memory_space<vmem>> -> memref<128xi32, #tpu.memory_space<vmem>>
          %dma_start3A_80 = arith.constant 0 : i32
          %dma_start3A_81 = arith.constant 0 : i32
          %dma_start3A_82 = tpu.memref_slice %arg11[%dma_start3A_80, %dma_start3A_81] : memref<10240x128xf32, #tpu.memory_space<vmem_shared>> -> memref<10240x128xf32, #tpu.memory_space<vmem_shared>>
          tpu.enqueue_indirect_dma source(%arg10 : memref<128x128xf32, #tpu.memory_space<vmem>>) target(%dma_start3A_82 : memref<10240x128xf32, #tpu.memory_space<vmem_shared>>) offsets(%dma_start3A_79 : memref<128xi32, #tpu.memory_space<vmem>>) semaphore(%run_scoped3A : memref<!tpu.dma_semaphore, #tpu.memory_space<semaphore_mem>>) {add = true}
          %dma_wait3A_83 = arith.constant 0 : i32
          %dma_wait3A_84 = tpu.memref_slice %arg8[%add3A_53, %dma_wait3A_83] : memref<32x128xi32, #tpu.memory_space<vmem>> -> memref<1x128xi32, #tpu.memory_space<vmem>>
          %dma_wait3A_85 = tpu.memref_squeeze %dma_wait3A_84 : memref<1x128xi32, #tpu.memory_space<vmem>> -> memref<128xi32, #tpu.memory_space<vmem>>
          %dma_wait3A_86 = arith.constant 0 : i32
          %dma_wait3A_87 = arith.constant 0 : i32
          %dma_wait3A_88 = tpu.memref_slice %arg11[%dma_wait3A_86, %dma_wait3A_87] : memref<10240x128xf32, #tpu.memory_space<vmem_shared>> -> memref<10240x128xf32, #tpu.memory_space<vmem_shared>>
          tpu.wait_indirect_dma semaphore(%run_scoped3A : memref<!tpu.dma_semaphore, #tpu.memory_space<semaphore_mem>>) src(%arg10 : memref<128x128xf32, #tpu.memory_space<vmem>>) dst(%dma_wait3A_88 : memref<10240x128xf32, #tpu.memory_space<vmem_shared>>)
          tpu.yield
        }) : () -> ()
        %add3A_69 = arith.constant 2 : i32
        %add3A_70 = arith.addi %add3A_53, %add3A_69 : i32
        %lt3A_71 = arith.constant 32 : i32
        %lt3A_72 = arith.cmpi slt, %add3A_70, %lt3A_71 : i32
        %convert_element_type3A_73 = arith.extui %lt3A_72 : i1 to i32
        %cond3A_74 = arith.constant 0 : i32
        %cond3A_75 = arith.cmpi ne, %convert_element_type3A_73, %cond3A_74 : i32
        scf.if %cond3A_75 {
          %add3A_77 = arith.constant 2 : i32
          %add3A_78 = arith.addi %add3A_53, %add3A_77 : i32
          %dma_start3A_79 = arith.constant 0 : i32
          %dma_start3A_80 = tpu.memref_slice %arg7[%add3A_78, %dma_start3A_79] : memref<32x128xi32, #tpu.memory_space<vmem>> -> memref<1x128xi32, #tpu.memory_space<vmem>>
          %dma_start3A_81 = tpu.memref_squeeze %dma_start3A_80 : memref<1x128xi32, #tpu.memory_space<vmem>> -> memref<128xi32, #tpu.memory_space<vmem>>
          %dma_start3A_82 = arith.constant 0 : i32
          %dma_start3A_83 = arith.constant 0 : i32
          %dma_start3A_84 = tpu.memref_slice %arg4[%dma_start3A_82, %dma_start3A_83] : memref<10240x128xf32, #tpu.memory_space<hbm>> -> memref<10240x128xf32, #tpu.memory_space<hbm>>
          tpu.enqueue_indirect_dma source(%dma_start3A_84 : memref<10240x128xf32, #tpu.memory_space<hbm>>) target(%arg10 : memref<128x128xf32, #tpu.memory_space<vmem>>) offsets(%dma_start3A_81 : memref<128xi32, #tpu.memory_space<vmem>>) semaphore(%arg13 : memref<!tpu.dma_semaphore, #tpu.memory_space<semaphore_mem>>)
        } else {
        }
        %scan3A_76 = arith.constant 0 : i32
        scf.yield %scan3A_76 : i32
      }
      %scan3A_46 = arith.constant 16 : i32
      %while3A_47 = arith.constant 0 : i32
      scf.yield %while3A_47 : i32
    }
    %barrier3A_22 = arith.constant 0 : index
    tpu.barrier barrier_id(%barrier3A_22)
    "tpu.region"() ({
      %run_scoped3A = tpu.sem_alloc : memref<!tpu.dma_semaphore, #tpu.memory_space<semaphore_mem>>
      %dma_start3A = arith.constant 0 : i32
      %dma_start3A_23 = tpu.memref_slice %arg6[%arg0, %mul3A_0, %dma_start3A] : memref<2x10240x128xf32, #tpu.memory_space<hbm>> -> memref<1x640x128xf32, #tpu.memory_space<hbm>>
      %dma_start3A_24 = tpu.memref_squeeze %dma_start3A_23 : memref<1x640x128xf32, #tpu.memory_space<hbm>> -> memref<640x128xf32, #tpu.memory_space<hbm>>
      %dma_start3A_25 = arith.constant 0 : i32
      %dma_start3A_26 = tpu.memref_slice %arg11[%mul3A_0, %dma_start3A_25] : memref<10240x128xf32, #tpu.memory_space<vmem_shared>> -> memref<640x128xf32, #tpu.memory_space<vmem_shared>>
      tpu.enqueue_dma source(%dma_start3A_26 : memref<640x128xf32, #tpu.memory_space<vmem_shared>>) target(%dma_start3A_24 : memref<640x128xf32, #tpu.memory_space<hbm>>) target_semaphore(%run_scoped3A : memref<!tpu.dma_semaphore, #tpu.memory_space<semaphore_mem>>)
      %dma_wait3A = arith.constant 0 : i32
      %dma_wait3A_27 = tpu.memref_slice %arg6[%arg0, %mul3A_0, %dma_wait3A] : memref<2x10240x128xf32, #tpu.memory_space<hbm>> -> memref<1x640x128xf32, #tpu.memory_space<hbm>>
      %dma_wait3A_28 = tpu.memref_squeeze %dma_wait3A_27 : memref<1x640x128xf32, #tpu.memory_space<hbm>> -> memref<640x128xf32, #tpu.memory_space<hbm>>
      %dma_wait3A_29 = arith.constant 0 : i32
      %dma_wait3A_30 = tpu.memref_slice %arg11[%mul3A_0, %dma_wait3A_29] : memref<10240x128xf32, #tpu.memory_space<vmem_shared>> -> memref<640x128xf32, #tpu.memory_space<vmem_shared>>
      tpu.wait_dma2 semaphore(%run_scoped3A : memref<!tpu.dma_semaphore, #tpu.memory_space<semaphore_mem>>) src(%dma_wait3A_30 : memref<640x128xf32, #tpu.memory_space<vmem_shared>>) dst(%dma_wait3A_28 : memref<640x128xf32, #tpu.memory_space<hbm>>)
      tpu.yield
    }) : () -> ()
    return
  }
}

#map = affine_map<(d0, d1) -> (0, 0)>
#map1 = affine_map<(d0, d1) -> (0, 0, 0)>
module attributes {stable_mosaic.version = 14 : i64} {
  func.func @_sc_deg(%arg0: i32, %arg1: i32, %arg2: memref<2560x128xi32, #tpu.memory_space<hbm>>, %arg3: memref<10240x16xf32, #tpu.memory_space<hbm>>, %arg4: memref<2x10240x16xf32, #tpu.memory_space<hbm>>, %arg5: memref<80x128xi32, #tpu.memory_space<vmem>>, %arg6: memref<128x16xf32, #tpu.memory_space<vmem>>, %arg7: memref<10240x16xf32, #tpu.memory_space<vmem_shared>>) attributes {dimension_semantics = [#tpu.dimension_semantics<core_parallel>, #tpu.dimension_semantics<subcore_parallel>], iteration_bounds = array<i64: 2, 16>, scalar_prefetch = 0 : i64, scratch_operands = 3 : i64, tpu.core_type = #tpu.core_type<sc_vector_subcore>, window_params = [{transform_indices = #map}, {transform_indices = #map}, {transform_indices = #map1}]} {
    %mul3A = arith.constant 2 : i32
    %mul3A_0 = arith.muli %arg1, %mul3A : i32
    %add3A = arith.addi %mul3A_0, %arg0 : i32
    %scan3A = arith.constant 0 : i32
    %scan3A_1 = arith.constant 0 : i32
    %scan3A_2 = arith.constant 128 : i32
    %scan3A_3 = arith.addi %scan3A_1, %scan3A_2 : i32
    %scan3A_4 = arith.constant 1 : i32
    %scan3A_5 = scf.for %scan3A_19 = %scan3A_1 to %scan3A_3 step %scan3A_4 iter_args(%scan3A_20 = %scan3A) -> (i32)  : i32 {
      %broadcast_in_dim3A = arith.constant 1.000000e+00 : f32
      %broadcast_in_dim3A_21 = vector.broadcast %broadcast_in_dim3A : f32 to vector<16xf32>
      %swap3A = arith.index_cast %scan3A_19 : i32 to index
      %swap3A_22 = arith.constant 0 : index
      %swap3A_23 = tpu.vector_load %arg6[%swap3A, %swap3A_22] {strides = array<i32>} : memref<128x16xf32, #tpu.memory_space<vmem>>, vector<1x16xf32>,
      %swap3A_24 = vector.shape_cast %swap3A_23 : vector<1x16xf32> to vector<16xf32>
      %swap3A_25 = vector.shape_cast %broadcast_in_dim3A_21 : vector<16xf32> to vector<1x16xf32>
      tpu.vector_store %arg6[%swap3A, %swap3A_22], %swap3A_25 {strides = array<i32>} : memref<128x16xf32, #tpu.memory_space<vmem>>, vector<1x16xf32>,
      %scan3A_26 = arith.constant 0 : i32
      scf.yield %scan3A_26 : i32
    }
    %scan3A_6 = arith.constant 128 : i32
    %mul3A_7 = arith.constant 640 : i32
    %mul3A_8 = arith.muli %arg1, %mul3A_7 : i32
    "tpu.region"() ({
      %run_scoped3A = tpu.sem_alloc : memref<!tpu.dma_semaphore, #tpu.memory_space<semaphore_mem>>
      %dma_start3A = arith.constant 0 : i32
      %dma_start3A_19 = tpu.memref_slice %arg7[%mul3A_8, %dma_start3A] : memref<10240x16xf32, #tpu.memory_space<vmem_shared>> -> memref<640x16xf32, #tpu.memory_space<vmem_shared>>
      %dma_start3A_20 = arith.constant 0 : i32
      %dma_start3A_21 = tpu.memref_slice %arg3[%mul3A_8, %dma_start3A_20] : memref<10240x16xf32, #tpu.memory_space<hbm>> -> memref<640x16xf32, #tpu.memory_space<hbm>>
      tpu.enqueue_dma source(%dma_start3A_21 : memref<640x16xf32, #tpu.memory_space<hbm>>) target(%dma_start3A_19 : memref<640x16xf32, #tpu.memory_space<vmem_shared>>) target_semaphore(%run_scoped3A : memref<!tpu.dma_semaphore, #tpu.memory_space<semaphore_mem>>)
      %dma_wait3A = arith.constant 0 : i32
      %dma_wait3A_22 = tpu.memref_slice %arg7[%mul3A_8, %dma_wait3A] : memref<10240x16xf32, #tpu.memory_space<vmem_shared>> -> memref<640x16xf32, #tpu.memory_space<vmem_shared>>
      %dma_wait3A_23 = arith.constant 0 : i32
      %dma_wait3A_24 = tpu.memref_slice %arg3[%mul3A_8, %dma_wait3A_23] : memref<10240x16xf32, #tpu.memory_space<hbm>> -> memref<640x16xf32, #tpu.memory_space<hbm>>
      tpu.wait_dma2 semaphore(%run_scoped3A : memref<!tpu.dma_semaphore, #tpu.memory_space<semaphore_mem>>) src(%dma_wait3A_24 : memref<640x16xf32, #tpu.memory_space<hbm>>) dst(%dma_wait3A_22 : memref<640x16xf32, #tpu.memory_space<vmem_shared>>)
      tpu.yield
    }) : () -> ()
    %mul3A_9 = arith.constant 80 : i32
    %mul3A_10 = arith.muli %add3A, %mul3A_9 : i32
    "tpu.region"() ({
      %run_scoped3A = tpu.sem_alloc : memref<!tpu.dma_semaphore, #tpu.memory_space<semaphore_mem>>
      %dma_start3A = arith.constant 0 : i32
      %dma_start3A_19 = tpu.memref_slice %arg2[%mul3A_10, %dma_start3A] : memref<2560x128xi32, #tpu.memory_space<hbm>> -> memref<80x128xi32, #tpu.memory_space<hbm>>
      %dma_start3A_20 = arith.constant 0 : i32
      %dma_start3A_21 = tpu.memref_slice %arg2[%mul3A_10, %dma_start3A_20] : memref<2560x128xi32, #tpu.memory_space<hbm>> -> memref<80x128xi32, #tpu.memory_space<hbm>>
      tpu.enqueue_dma source(%dma_start3A_21 : memref<80x128xi32, #tpu.memory_space<hbm>>) target(%arg5 : memref<80x128xi32, #tpu.memory_space<vmem>>) target_semaphore(%run_scoped3A : memref<!tpu.dma_semaphore, #tpu.memory_space<semaphore_mem>>)
      %dma_wait3A = arith.constant 0 : i32
      %dma_wait3A_22 = tpu.memref_slice %arg2[%mul3A_10, %dma_wait3A] : memref<2560x128xi32, #tpu.memory_space<hbm>> -> memref<80x128xi32, #tpu.memory_space<hbm>>
      %dma_wait3A_23 = arith.constant 0 : i32
      %dma_wait3A_24 = tpu.memref_slice %arg2[%mul3A_10, %dma_wait3A_23] : memref<2560x128xi32, #tpu.memory_space<hbm>> -> memref<80x128xi32, #tpu.memory_space<hbm>>
      tpu.wait_dma2 semaphore(%run_scoped3A : memref<!tpu.dma_semaphore, #tpu.memory_space<semaphore_mem>>) src(%dma_wait3A_24 : memref<80x128xi32, #tpu.memory_space<hbm>>) dst(%arg5 : memref<80x128xi32, #tpu.memory_space<vmem>>)
      tpu.yield
    }) : () -> ()
    %barrier3A = arith.constant 0 : index
    tpu.barrier barrier_id(%barrier3A)
    %scan3A_11 = arith.constant 0 : i32
    %scan3A_12 = arith.constant 0 : i32
    %scan3A_13 = arith.constant 80 : i32
    %scan3A_14 = arith.addi %scan3A_12, %scan3A_13 : i32
    %scan3A_15 = arith.constant 1 : i32
    %scan3A_16 = scf.for %scan3A_19 = %scan3A_12 to %scan3A_14 step %scan3A_15 iter_args(%scan3A_20 = %scan3A_11) -> (i32)  : i32 {
      "tpu.region"() ({
        %run_scoped3A = tpu.sem_alloc : memref<!tpu.dma_semaphore, #tpu.memory_space<semaphore_mem>>
        %dma_start3A = arith.constant 0 : i32
        %dma_start3A_22 = tpu.memref_slice %arg5[%scan3A_19, %dma_start3A] : memref<80x128xi32, #tpu.memory_space<vmem>> -> memref<1x128xi32, #tpu.memory_space<vmem>>
        %dma_start3A_23 = tpu.memref_squeeze %dma_start3A_22 : memref<1x128xi32, #tpu.memory_space<vmem>> -> memref<128xi32, #tpu.memory_space<vmem>>
        %dma_start3A_24 = arith.constant 0 : i32
        %dma_start3A_25 = arith.constant 0 : i32
        %dma_start3A_26 = tpu.memref_slice %arg7[%dma_start3A_24, %dma_start3A_25] : memref<10240x16xf32, #tpu.memory_space<vmem_shared>> -> memref<10240x16xf32, #tpu.memory_space<vmem_shared>>
        tpu.enqueue_indirect_dma source(%arg6 : memref<128x16xf32, #tpu.memory_space<vmem>>) target(%dma_start3A_26 : memref<10240x16xf32, #tpu.memory_space<vmem_shared>>) offsets(%dma_start3A_23 : memref<128xi32, #tpu.memory_space<vmem>>) semaphore(%run_scoped3A : memref<!tpu.dma_semaphore, #tpu.memory_space<semaphore_mem>>) {add = true}
        %dma_wait3A = arith.constant 0 : i32
        %dma_wait3A_27 = tpu.memref_slice %arg5[%scan3A_19, %dma_wait3A] : memref<80x128xi32, #tpu.memory_space<vmem>> -> memref<1x128xi32, #tpu.memory_space<vmem>>
        %dma_wait3A_28 = tpu.memref_squeeze %dma_wait3A_27 : memref<1x128xi32, #tpu.memory_space<vmem>> -> memref<128xi32, #tpu.memory_space<vmem>>
        %dma_wait3A_29 = arith.constant 0 : i32
        %dma_wait3A_30 = arith.constant 0 : i32
        %dma_wait3A_31 = tpu.memref_slice %arg7[%dma_wait3A_29, %dma_wait3A_30] : memref<10240x16xf32, #tpu.memory_space<vmem_shared>> -> memref<10240x16xf32, #tpu.memory_space<vmem_shared>>
        tpu.wait_indirect_dma semaphore(%run_scoped3A : memref<!tpu.dma_semaphore, #tpu.memory_space<semaphore_mem>>) src(%arg6 : memref<128x16xf32, #tpu.memory_space<vmem>>) dst(%dma_wait3A_31 : memref<10240x16xf32, #tpu.memory_space<vmem_shared>>)
        tpu.yield
      }) : () -> ()
      %scan3A_21 = arith.constant 0 : i32
      scf.yield %scan3A_21 : i32
    }
    %scan3A_17 = arith.constant 80 : i32
    %barrier3A_18 = arith.constant 0 : index
    tpu.barrier barrier_id(%barrier3A_18)
    "tpu.region"() ({
      %run_scoped3A = tpu.sem_alloc : memref<!tpu.dma_semaphore, #tpu.memory_space<semaphore_mem>>
      %dma_start3A = arith.constant 0 : i32
      %dma_start3A_19 = tpu.memref_slice %arg4[%arg0, %mul3A_8, %dma_start3A] : memref<2x10240x16xf32, #tpu.memory_space<hbm>> -> memref<1x640x16xf32, #tpu.memory_space<hbm>>
      %dma_start3A_20 = tpu.memref_squeeze %dma_start3A_19 : memref<1x640x16xf32, #tpu.memory_space<hbm>> -> memref<640x16xf32, #tpu.memory_space<hbm>>
      %dma_start3A_21 = arith.constant 0 : i32
      %dma_start3A_22 = tpu.memref_slice %arg7[%mul3A_8, %dma_start3A_21] : memref<10240x16xf32, #tpu.memory_space<vmem_shared>> -> memref<640x16xf32, #tpu.memory_space<vmem_shared>>
      tpu.enqueue_dma source(%dma_start3A_22 : memref<640x16xf32, #tpu.memory_space<vmem_shared>>) target(%dma_start3A_20 : memref<640x16xf32, #tpu.memory_space<hbm>>) target_semaphore(%run_scoped3A : memref<!tpu.dma_semaphore, #tpu.memory_space<semaphore_mem>>)
      %dma_wait3A = arith.constant 0 : i32
      %dma_wait3A_23 = tpu.memref_slice %arg4[%arg0, %mul3A_8, %dma_wait3A] : memref<2x10240x16xf32, #tpu.memory_space<hbm>> -> memref<1x640x16xf32, #tpu.memory_space<hbm>>
      %dma_wait3A_24 = tpu.memref_squeeze %dma_wait3A_23 : memref<1x640x16xf32, #tpu.memory_space<hbm>> -> memref<640x16xf32, #tpu.memory_space<hbm>>
      %dma_wait3A_25 = arith.constant 0 : i32
      %dma_wait3A_26 = tpu.memref_slice %arg7[%mul3A_8, %dma_wait3A_25] : memref<10240x16xf32, #tpu.memory_space<vmem_shared>> -> memref<640x16xf32, #tpu.memory_space<vmem_shared>>
      tpu.wait_dma2 semaphore(%run_scoped3A : memref<!tpu.dma_semaphore, #tpu.memory_space<semaphore_mem>>) src(%dma_wait3A_26 : memref<640x16xf32, #tpu.memory_space<vmem_shared>>) dst(%dma_wait3A_24 : memref<640x16xf32, #tpu.memory_space<hbm>>)
      tpu.yield
    }) : () -> ()
    return
  }
}

#map = affine_map<(d0, d1) -> (0, 0)>
#map1 = affine_map<(d0, d1) -> (0, 0, 0)>
module attributes {stable_mosaic.version = 14 : i64} {
  func.func @_sc_agg(%arg0: i32, %arg1: i32, %arg2: memref<2560x128xi32, #tpu.memory_space<hbm>>, %arg3: memref<2560x128xi32, #tpu.memory_space<hbm>>, %arg4: memref<10240x128xf32, #tpu.memory_space<hbm>>, %arg5: memref<10240x128xf32, #tpu.memory_space<hbm>>, %arg6: memref<2x10240x128xf32, #tpu.memory_space<hbm>>, %arg7: memref<32x128xi32, #tpu.memory_space<vmem>>, %arg8: memref<32x128xi32, #tpu.memory_space<vmem>>, %arg9: memref<128x128xf32, #tpu.memory_space<vmem>>, %arg10: memref<128x128xf32, #tpu.memory_space<vmem>>, %arg11: memref<10240x128xf32, #tpu.memory_space<vmem_shared>>, %arg12: memref<!tpu.dma_semaphore, #tpu.memory_space<semaphore_mem>>, %arg13: memref<!tpu.dma_semaphore, #tpu.memory_space<semaphore_mem>>) attributes {dimension_semantics = [#tpu.dimension_semantics<core_parallel>, #tpu.dimension_semantics<subcore_parallel>], iteration_bounds = array<i64: 2, 16>, scalar_prefetch = 0 : i64, scratch_operands = 7 : i64, tpu.core_type = #tpu.core_type<sc_vector_subcore>, window_params = [{transform_indices = #map}, {transform_indices = #map}, {transform_indices = #map}, {transform_indices = #map}, {transform_indices = #map1}]} {
    %mul3A = arith.constant 640 : i32
    %mul3A_0 = arith.muli %arg1, %mul3A : i32
    "tpu.region"() ({
      %run_scoped3A = tpu.sem_alloc : memref<!tpu.dma_semaphore, #tpu.memory_space<semaphore_mem>>
      %dma_start3A = arith.constant 0 : i32
      %dma_start3A_23 = tpu.memref_slice %arg11[%mul3A_0, %dma_start3A] : memref<10240x128xf32, #tpu.memory_space<vmem_shared>> -> memref<640x128xf32, #tpu.memory_space<vmem_shared>>
      %dma_start3A_24 = arith.constant 0 : i32
      %dma_start3A_25 = tpu.memref_slice %arg5[%mul3A_0, %dma_start3A_24] : memref<10240x128xf32, #tpu.memory_space<hbm>> -> memref<640x128xf32, #tpu.memory_space<hbm>>
      tpu.enqueue_dma source(%dma_start3A_25 : memref<640x128xf32, #tpu.memory_space<hbm>>) target(%dma_start3A_23 : memref<640x128xf32, #tpu.memory_space<vmem_shared>>) target_semaphore(%run_scoped3A : memref<!tpu.dma_semaphore, #tpu.memory_space<semaphore_mem>>)
      %dma_wait3A = arith.constant 0 : i32
      %dma_wait3A_26 = tpu.memref_slice %arg11[%mul3A_0, %dma_wait3A] : memref<10240x128xf32, #tpu.memory_space<vmem_shared>> -> memref<640x128xf32, #tpu.memory_space<vmem_shared>>
      %dma_wait3A_27 = arith.constant 0 : i32
      %dma_wait3A_28 = tpu.memref_slice %arg5[%mul3A_0, %dma_wait3A_27] : memref<10240x128xf32, #tpu.memory_space<hbm>> -> memref<640x128xf32, #tpu.memory_space<hbm>>
      tpu.wait_dma2 semaphore(%run_scoped3A : memref<!tpu.dma_semaphore, #tpu.memory_space<semaphore_mem>>) src(%dma_wait3A_28 : memref<640x128xf32, #tpu.memory_space<hbm>>) dst(%dma_wait3A_26 : memref<640x128xf32, #tpu.memory_space<vmem_shared>>)
      tpu.yield
    }) : () -> ()
    %barrier3A = arith.constant 0 : index
    tpu.barrier barrier_id(%barrier3A)
    %eq3A = arith.constant 0 : i32
    %eq3A_1 = arith.cmpi eq, %arg0, %eq3A : i32
    %jit3A = arith.constant 4 : i32
    %jit3A_2 = arith.constant 1 : i32
    %select_n3A = arith.select %eq3A_1, %jit3A, %jit3A_2 : i32
    %eq3A_3 = arith.constant 0 : i32
    %eq3A_4 = arith.cmpi eq, %arg0, %eq3A_3 : i32
    %mul3A_5 = arith.constant 128 : i32
    %mul3A_6 = arith.muli %arg1, %mul3A_5 : i32
    %mul3A_7 = arith.constant 32 : i32
    %mul3A_8 = arith.muli %arg1, %mul3A_7 : i32
    %add3A = arith.constant 2048 : i32
    %add3A_9 = arith.addi %add3A, %mul3A_8 : i32
    %select_n3A_10 = arith.select %eq3A_4, %mul3A_6, %add3A_9 : i32
    %while3A = arith.constant 0 : i32
    %while3A_11 = arith.constant 0 : i32
    %while3A_12 = arith.subi %select_n3A, %while3A : i32
    %while3A_13 = arith.addi %while3A, %while3A_12 : i32
    %while3A_14 = arith.constant 1 : i32
    %while3A_15 = arith.divsi %while3A_12, %while3A_14 : i32
    %while3A_16 = arith.muli %while3A_15, %while3A_14 : i32
    %while3A_17 = arith.addi %while3A, %while3A_16 : i32
    %while3A_18 = arith.constant 1 : i32
    %while3A_19 = scf.for %while3A_23 = %while3A to %while3A_17 step %while3A_18 iter_args(%while3A_24 = %while3A_11) -> (i32)  : i32 {
      %mul3A_25 = arith.constant 32 : i32
      %mul3A_26 = arith.muli %while3A_23, %mul3A_25 : i32
      %add3A_27 = arith.addi %select_n3A_10, %mul3A_26 : i32
      "tpu.region"() ({
        %run_scoped3A = tpu.sem_alloc : memref<!tpu.dma_semaphore, #tpu.memory_space<semaphore_mem>>
        %dma_start3A_48 = arith.constant 0 : i32
        %dma_start3A_49 = tpu.memref_slice %arg2[%add3A_27, %dma_start3A_48] : memref<2560x128xi32, #tpu.memory_space<hbm>> -> memref<32x128xi32, #tpu.memory_space<hbm>>
        %dma_start3A_50 = arith.constant 0 : i32
        %dma_start3A_51 = tpu.memref_slice %arg2[%add3A_27, %dma_start3A_50] : memref<2560x128xi32, #tpu.memory_space<hbm>> -> memref<32x128xi32, #tpu.memory_space<hbm>>
        tpu.enqueue_dma source(%dma_start3A_51 : memref<32x128xi32, #tpu.memory_space<hbm>>) target(%arg7 : memref<32x128xi32, #tpu.memory_space<vmem>>) target_semaphore(%run_scoped3A : memref<!tpu.dma_semaphore, #tpu.memory_space<semaphore_mem>>)
        %dma_wait3A = arith.constant 0 : i32
        %dma_wait3A_52 = tpu.memref_slice %arg2[%add3A_27, %dma_wait3A] : memref<2560x128xi32, #tpu.memory_space<hbm>> -> memref<32x128xi32, #tpu.memory_space<hbm>>
        %dma_wait3A_53 = arith.constant 0 : i32
        %dma_wait3A_54 = tpu.memref_slice %arg2[%add3A_27, %dma_wait3A_53] : memref<2560x128xi32, #tpu.memory_space<hbm>> -> memref<32x128xi32, #tpu.memory_space<hbm>>
        tpu.wait_dma2 semaphore(%run_scoped3A : memref<!tpu.dma_semaphore, #tpu.memory_space<semaphore_mem>>) src(%dma_wait3A_54 : memref<32x128xi32, #tpu.memory_space<hbm>>) dst(%arg7 : memref<32x128xi32, #tpu.memory_space<vmem>>)
        tpu.yield
      }) : () -> ()
      "tpu.region"() ({
        %run_scoped3A = tpu.sem_alloc : memref<!tpu.dma_semaphore, #tpu.memory_space<semaphore_mem>>
        %dma_start3A_48 = arith.constant 0 : i32
        %dma_start3A_49 = tpu.memref_slice %arg3[%add3A_27, %dma_start3A_48] : memref<2560x128xi32, #tpu.memory_space<hbm>> -> memref<32x128xi32, #tpu.memory_space<hbm>>
        %dma_start3A_50 = arith.constant 0 : i32
        %dma_start3A_51 = tpu.memref_slice %arg3[%add3A_27, %dma_start3A_50] : memref<2560x128xi32, #tpu.memory_space<hbm>> -> memref<32x128xi32, #tpu.memory_space<hbm>>
        tpu.enqueue_dma source(%dma_start3A_51 : memref<32x128xi32, #tpu.memory_space<hbm>>) target(%arg8 : memref<32x128xi32, #tpu.memory_space<vmem>>) target_semaphore(%run_scoped3A : memref<!tpu.dma_semaphore, #tpu.memory_space<semaphore_mem>>)
        %dma_wait3A = arith.constant 0 : i32
        %dma_wait3A_52 = tpu.memref_slice %arg3[%add3A_27, %dma_wait3A] : memref<2560x128xi32, #tpu.memory_space<hbm>> -> memref<32x128xi32, #tpu.memory_space<hbm>>
        %dma_wait3A_53 = arith.constant 0 : i32
        %dma_wait3A_54 = tpu.memref_slice %arg3[%add3A_27, %dma_wait3A_53] : memref<2560x128xi32, #tpu.memory_space<hbm>> -> memref<32x128xi32, #tpu.memory_space<hbm>>
        tpu.wait_dma2 semaphore(%run_scoped3A : memref<!tpu.dma_semaphore, #tpu.memory_space<semaphore_mem>>) src(%dma_wait3A_54 : memref<32x128xi32, #tpu.memory_space<hbm>>) dst(%arg8 : memref<32x128xi32, #tpu.memory_space<vmem>>)
        tpu.yield
      }) : () -> ()
      %dma_start3A = arith.constant 0 : i32
      %dma_start3A_28 = arith.constant 0 : i32
      %dma_start3A_29 = tpu.memref_slice %arg7[%dma_start3A, %dma_start3A_28] : memref<32x128xi32, #tpu.memory_space<vmem>> -> memref<1x128xi32, #tpu.memory_space<vmem>>
      %dma_start3A_30 = tpu.memref_squeeze %dma_start3A_29 : memref<1x128xi32, #tpu.memory_space<vmem>> -> memref<128xi32, #tpu.memory_space<vmem>>
      %dma_start3A_31 = arith.constant 0 : i32
      %dma_start3A_32 = arith.constant 0 : i32
      %dma_start3A_33 = tpu.memref_slice %arg4[%dma_start3A_31, %dma_start3A_32] : memref<10240x128xf32, #tpu.memory_space<hbm>> -> memref<10240x128xf32, #tpu.memory_space<hbm>>
      tpu.enqueue_indirect_dma source(%dma_start3A_33 : memref<10240x128xf32, #tpu.memory_space<hbm>>) target(%arg9 : memref<128x128xf32, #tpu.memory_space<vmem>>) offsets(%dma_start3A_30 : memref<128xi32, #tpu.memory_space<vmem>>) semaphore(%arg12 : memref<!tpu.dma_semaphore, #tpu.memory_space<semaphore_mem>>)
      %dma_start3A_34 = arith.constant 1 : i32
      %dma_start3A_35 = arith.constant 0 : i32
      %dma_start3A_36 = tpu.memref_slice %arg7[%dma_start3A_34, %dma_start3A_35] : memref<32x128xi32, #tpu.memory_space<vmem>> -> memref<1x128xi32, #tpu.memory_space<vmem>>
      %dma_start3A_37 = tpu.memref_squeeze %dma_start3A_36 : memref<1x128xi32, #tpu.memory_space<vmem>> -> memref<128xi32, #tpu.memory_space<vmem>>
      %dma_start3A_38 = arith.constant 0 : i32
      %dma_start3A_39 = arith.constant 0 : i32
      %dma_start3A_40 = tpu.memref_slice %arg4[%dma_start3A_38, %dma_start3A_39] : memref<10240x128xf32, #tpu.memory_space<hbm>> -> memref<10240x128xf32, #tpu.memory_space<hbm>>
      tpu.enqueue_indirect_dma source(%dma_start3A_40 : memref<10240x128xf32, #tpu.memory_space<hbm>>) target(%arg10 : memref<128x128xf32, #tpu.memory_space<vmem>>) offsets(%dma_start3A_37 : memref<128xi32, #tpu.memory_space<vmem>>) semaphore(%arg13 : memref<!tpu.dma_semaphore, #tpu.memory_space<semaphore_mem>>)
      %scan3A = arith.constant 0 : i32
      %scan3A_41 = arith.constant 0 : i32
      %scan3A_42 = arith.constant 16 : i32
      %scan3A_43 = arith.addi %scan3A_41, %scan3A_42 : i32
      %scan3A_44 = arith.constant 1 : i32
      %scan3A_45 = scf.for %scan3A_48 = %scan3A_41 to %scan3A_43 step %scan3A_44 iter_args(%scan3A_49 = %scan3A) -> (i32)  : i32 {
        %mul3A_50 = arith.constant 2 : i32
        %mul3A_51 = arith.muli %scan3A_48, %mul3A_50 : i32
        %add3A_52 = arith.constant 1 : i32
        %add3A_53 = arith.addi %mul3A_51, %add3A_52 : i32
        %dma_wait3A = arith.constant 0 : i32
        %dma_wait3A_54 = tpu.memref_slice %arg7[%mul3A_51, %dma_wait3A] : memref<32x128xi32, #tpu.memory_space<vmem>> -> memref<1x128xi32, #tpu.memory_space<vmem>>
        %dma_wait3A_55 = tpu.memref_squeeze %dma_wait3A_54 : memref<1x128xi32, #tpu.memory_space<vmem>> -> memref<128xi32, #tpu.memory_space<vmem>>
        %dma_wait3A_56 = arith.constant 0 : i32
        %dma_wait3A_57 = arith.constant 0 : i32
        %dma_wait3A_58 = tpu.memref_slice %arg4[%dma_wait3A_56, %dma_wait3A_57] : memref<10240x128xf32, #tpu.memory_space<hbm>> -> memref<10240x128xf32, #tpu.memory_space<hbm>>
        tpu.wait_indirect_dma semaphore(%arg12 : memref<!tpu.dma_semaphore, #tpu.memory_space<semaphore_mem>>) src(%dma_wait3A_58 : memref<10240x128xf32, #tpu.memory_space<hbm>>) dst(%arg9 : memref<128x128xf32, #tpu.memory_space<vmem>>)
        "tpu.region"() ({
          %run_scoped3A = tpu.sem_alloc : memref<!tpu.dma_semaphore, #tpu.memory_space<semaphore_mem>>
          %dma_start3A_77 = arith.constant 0 : i32
          %dma_start3A_78 = tpu.memref_slice %arg8[%mul3A_51, %dma_start3A_77] : memref<32x128xi32, #tpu.memory_space<vmem>> -> memref<1x128xi32, #tpu.memory_space<vmem>>
          %dma_start3A_79 = tpu.memref_squeeze %dma_start3A_78 : memref<1x128xi32, #tpu.memory_space<vmem>> -> memref<128xi32, #tpu.memory_space<vmem>>
          %dma_start3A_80 = arith.constant 0 : i32
          %dma_start3A_81 = arith.constant 0 : i32
          %dma_start3A_82 = tpu.memref_slice %arg11[%dma_start3A_80, %dma_start3A_81] : memref<10240x128xf32, #tpu.memory_space<vmem_shared>> -> memref<10240x128xf32, #tpu.memory_space<vmem_shared>>
          tpu.enqueue_indirect_dma source(%arg9 : memref<128x128xf32, #tpu.memory_space<vmem>>) target(%dma_start3A_82 : memref<10240x128xf32, #tpu.memory_space<vmem_shared>>) offsets(%dma_start3A_79 : memref<128xi32, #tpu.memory_space<vmem>>) semaphore(%run_scoped3A : memref<!tpu.dma_semaphore, #tpu.memory_space<semaphore_mem>>) {add = true}
          %dma_wait3A_83 = arith.constant 0 : i32
          %dma_wait3A_84 = tpu.memref_slice %arg8[%mul3A_51, %dma_wait3A_83] : memref<32x128xi32, #tpu.memory_space<vmem>> -> memref<1x128xi32, #tpu.memory_space<vmem>>
          %dma_wait3A_85 = tpu.memref_squeeze %dma_wait3A_84 : memref<1x128xi32, #tpu.memory_space<vmem>> -> memref<128xi32, #tpu.memory_space<vmem>>
          %dma_wait3A_86 = arith.constant 0 : i32
          %dma_wait3A_87 = arith.constant 0 : i32
          %dma_wait3A_88 = tpu.memref_slice %arg11[%dma_wait3A_86, %dma_wait3A_87] : memref<10240x128xf32, #tpu.memory_space<vmem_shared>> -> memref<10240x128xf32, #tpu.memory_space<vmem_shared>>
          tpu.wait_indirect_dma semaphore(%run_scoped3A : memref<!tpu.dma_semaphore, #tpu.memory_space<semaphore_mem>>) src(%arg9 : memref<128x128xf32, #tpu.memory_space<vmem>>) dst(%dma_wait3A_88 : memref<10240x128xf32, #tpu.memory_space<vmem_shared>>)
          tpu.yield
        }) : () -> ()
        %add3A_59 = arith.constant 2 : i32
        %add3A_60 = arith.addi %mul3A_51, %add3A_59 : i32
        %lt3A = arith.constant 32 : i32
        %lt3A_61 = arith.cmpi slt, %add3A_60, %lt3A : i32
        %convert_element_type3A = arith.extui %lt3A_61 : i1 to i32
        %cond3A = arith.constant 0 : i32
        %cond3A_62 = arith.cmpi ne, %convert_element_type3A, %cond3A : i32
        scf.if %cond3A_62 {
          %add3A_77 = arith.constant 2 : i32
          %add3A_78 = arith.addi %mul3A_51, %add3A_77 : i32
          %dma_start3A_79 = arith.constant 0 : i32
          %dma_start3A_80 = tpu.memref_slice %arg7[%add3A_78, %dma_start3A_79] : memref<32x128xi32, #tpu.memory_space<vmem>> -> memref<1x128xi32, #tpu.memory_space<vmem>>
          %dma_start3A_81 = tpu.memref_squeeze %dma_start3A_80 : memref<1x128xi32, #tpu.memory_space<vmem>> -> memref<128xi32, #tpu.memory_space<vmem>>
          %dma_start3A_82 = arith.constant 0 : i32
          %dma_start3A_83 = arith.constant 0 : i32
          %dma_start3A_84 = tpu.memref_slice %arg4[%dma_start3A_82, %dma_start3A_83] : memref<10240x128xf32, #tpu.memory_space<hbm>> -> memref<10240x128xf32, #tpu.memory_space<hbm>>
          tpu.enqueue_indirect_dma source(%dma_start3A_84 : memref<10240x128xf32, #tpu.memory_space<hbm>>) target(%arg9 : memref<128x128xf32, #tpu.memory_space<vmem>>) offsets(%dma_start3A_81 : memref<128xi32, #tpu.memory_space<vmem>>) semaphore(%arg12 : memref<!tpu.dma_semaphore, #tpu.memory_space<semaphore_mem>>)
        } else {
        }
        %dma_wait3A_63 = arith.constant 0 : i32
        %dma_wait3A_64 = tpu.memref_slice %arg7[%add3A_53, %dma_wait3A_63] : memref<32x128xi32, #tpu.memory_space<vmem>> -> memref<1x128xi32, #tpu.memory_space<vmem>>
        %dma_wait3A_65 = tpu.memref_squeeze %dma_wait3A_64 : memref<1x128xi32, #tpu.memory_space<vmem>> -> memref<128xi32, #tpu.memory_space<vmem>>
        %dma_wait3A_66 = arith.constant 0 : i32
        %dma_wait3A_67 = arith.constant 0 : i32
        %dma_wait3A_68 = tpu.memref_slice %arg4[%dma_wait3A_66, %dma_wait3A_67] : memref<10240x128xf32, #tpu.memory_space<hbm>> -> memref<10240x128xf32, #tpu.memory_space<hbm>>
        tpu.wait_indirect_dma semaphore(%arg13 : memref<!tpu.dma_semaphore, #tpu.memory_space<semaphore_mem>>) src(%dma_wait3A_68 : memref<10240x128xf32, #tpu.memory_space<hbm>>) dst(%arg10 : memref<128x128xf32, #tpu.memory_space<vmem>>)
        "tpu.region"() ({
          %run_scoped3A = tpu.sem_alloc : memref<!tpu.dma_semaphore, #tpu.memory_space<semaphore_mem>>
          %dma_start3A_77 = arith.constant 0 : i32
          %dma_start3A_78 = tpu.memref_slice %arg8[%add3A_53, %dma_start3A_77] : memref<32x128xi32, #tpu.memory_space<vmem>> -> memref<1x128xi32, #tpu.memory_space<vmem>>
          %dma_start3A_79 = tpu.memref_squeeze %dma_start3A_78 : memref<1x128xi32, #tpu.memory_space<vmem>> -> memref<128xi32, #tpu.memory_space<vmem>>
          %dma_start3A_80 = arith.constant 0 : i32
          %dma_start3A_81 = arith.constant 0 : i32
          %dma_start3A_82 = tpu.memref_slice %arg11[%dma_start3A_80, %dma_start3A_81] : memref<10240x128xf32, #tpu.memory_space<vmem_shared>> -> memref<10240x128xf32, #tpu.memory_space<vmem_shared>>
          tpu.enqueue_indirect_dma source(%arg10 : memref<128x128xf32, #tpu.memory_space<vmem>>) target(%dma_start3A_82 : memref<10240x128xf32, #tpu.memory_space<vmem_shared>>) offsets(%dma_start3A_79 : memref<128xi32, #tpu.memory_space<vmem>>) semaphore(%run_scoped3A : memref<!tpu.dma_semaphore, #tpu.memory_space<semaphore_mem>>) {add = true}
          %dma_wait3A_83 = arith.constant 0 : i32
          %dma_wait3A_84 = tpu.memref_slice %arg8[%add3A_53, %dma_wait3A_83] : memref<32x128xi32, #tpu.memory_space<vmem>> -> memref<1x128xi32, #tpu.memory_space<vmem>>
          %dma_wait3A_85 = tpu.memref_squeeze %dma_wait3A_84 : memref<1x128xi32, #tpu.memory_space<vmem>> -> memref<128xi32, #tpu.memory_space<vmem>>
          %dma_wait3A_86 = arith.constant 0 : i32
          %dma_wait3A_87 = arith.constant 0 : i32
          %dma_wait3A_88 = tpu.memref_slice %arg11[%dma_wait3A_86, %dma_wait3A_87] : memref<10240x128xf32, #tpu.memory_space<vmem_shared>> -> memref<10240x128xf32, #tpu.memory_space<vmem_shared>>
          tpu.wait_indirect_dma semaphore(%run_scoped3A : memref<!tpu.dma_semaphore, #tpu.memory_space<semaphore_mem>>) src(%arg10 : memref<128x128xf32, #tpu.memory_space<vmem>>) dst(%dma_wait3A_88 : memref<10240x128xf32, #tpu.memory_space<vmem_shared>>)
          tpu.yield
        }) : () -> ()
        %add3A_69 = arith.constant 2 : i32
        %add3A_70 = arith.addi %add3A_53, %add3A_69 : i32
        %lt3A_71 = arith.constant 32 : i32
        %lt3A_72 = arith.cmpi slt, %add3A_70, %lt3A_71 : i32
        %convert_element_type3A_73 = arith.extui %lt3A_72 : i1 to i32
        %cond3A_74 = arith.constant 0 : i32
        %cond3A_75 = arith.cmpi ne, %convert_element_type3A_73, %cond3A_74 : i32
        scf.if %cond3A_75 {
          %add3A_77 = arith.constant 2 : i32
          %add3A_78 = arith.addi %add3A_53, %add3A_77 : i32
          %dma_start3A_79 = arith.constant 0 : i32
          %dma_start3A_80 = tpu.memref_slice %arg7[%add3A_78, %dma_start3A_79] : memref<32x128xi32, #tpu.memory_space<vmem>> -> memref<1x128xi32, #tpu.memory_space<vmem>>
          %dma_start3A_81 = tpu.memref_squeeze %dma_start3A_80 : memref<1x128xi32, #tpu.memory_space<vmem>> -> memref<128xi32, #tpu.memory_space<vmem>>
          %dma_start3A_82 = arith.constant 0 : i32
          %dma_start3A_83 = arith.constant 0 : i32
          %dma_start3A_84 = tpu.memref_slice %arg4[%dma_start3A_82, %dma_start3A_83] : memref<10240x128xf32, #tpu.memory_space<hbm>> -> memref<10240x128xf32, #tpu.memory_space<hbm>>
          tpu.enqueue_indirect_dma source(%dma_start3A_84 : memref<10240x128xf32, #tpu.memory_space<hbm>>) target(%arg10 : memref<128x128xf32, #tpu.memory_space<vmem>>) offsets(%dma_start3A_81 : memref<128xi32, #tpu.memory_space<vmem>>) semaphore(%arg13 : memref<!tpu.dma_semaphore, #tpu.memory_space<semaphore_mem>>)
        } else {
        }
        %scan3A_76 = arith.constant 0 : i32
        scf.yield %scan3A_76 : i32
      }
      %scan3A_46 = arith.constant 16 : i32
      %while3A_47 = arith.constant 0 : i32
      scf.yield %while3A_47 : i32
    }
    %while3A_20 = arith.constant 1 : i32
    %while3A_21 = scf.for %while3A_23 = %while3A_17 to %while3A_13 step %while3A_20 iter_args(%while3A_24 = %while3A_19) -> (i32)  : i32 {
      %mul3A_25 = arith.constant 32 : i32
      %mul3A_26 = arith.muli %while3A_23, %mul3A_25 : i32
      %add3A_27 = arith.addi %select_n3A_10, %mul3A_26 : i32
      "tpu.region"() ({
        %run_scoped3A = tpu.sem_alloc : memref<!tpu.dma_semaphore, #tpu.memory_space<semaphore_mem>>
        %dma_start3A_48 = arith.constant 0 : i32
        %dma_start3A_49 = tpu.memref_slice %arg2[%add3A_27, %dma_start3A_48] : memref<2560x128xi32, #tpu.memory_space<hbm>> -> memref<32x128xi32, #tpu.memory_space<hbm>>
        %dma_start3A_50 = arith.constant 0 : i32
        %dma_start3A_51 = tpu.memref_slice %arg2[%add3A_27, %dma_start3A_50] : memref<2560x128xi32, #tpu.memory_space<hbm>> -> memref<32x128xi32, #tpu.memory_space<hbm>>
        tpu.enqueue_dma source(%dma_start3A_51 : memref<32x128xi32, #tpu.memory_space<hbm>>) target(%arg7 : memref<32x128xi32, #tpu.memory_space<vmem>>) target_semaphore(%run_scoped3A : memref<!tpu.dma_semaphore, #tpu.memory_space<semaphore_mem>>)
        %dma_wait3A = arith.constant 0 : i32
        %dma_wait3A_52 = tpu.memref_slice %arg2[%add3A_27, %dma_wait3A] : memref<2560x128xi32, #tpu.memory_space<hbm>> -> memref<32x128xi32, #tpu.memory_space<hbm>>
        %dma_wait3A_53 = arith.constant 0 : i32
        %dma_wait3A_54 = tpu.memref_slice %arg2[%add3A_27, %dma_wait3A_53] : memref<2560x128xi32, #tpu.memory_space<hbm>> -> memref<32x128xi32, #tpu.memory_space<hbm>>
        tpu.wait_dma2 semaphore(%run_scoped3A : memref<!tpu.dma_semaphore, #tpu.memory_space<semaphore_mem>>) src(%dma_wait3A_54 : memref<32x128xi32, #tpu.memory_space<hbm>>) dst(%arg7 : memref<32x128xi32, #tpu.memory_space<vmem>>)
        tpu.yield
      }) : () -> ()
      "tpu.region"() ({
        %run_scoped3A = tpu.sem_alloc : memref<!tpu.dma_semaphore, #tpu.memory_space<semaphore_mem>>
        %dma_start3A_48 = arith.constant 0 : i32
        %dma_start3A_49 = tpu.memref_slice %arg3[%add3A_27, %dma_start3A_48] : memref<2560x128xi32, #tpu.memory_space<hbm>> -> memref<32x128xi32, #tpu.memory_space<hbm>>
        %dma_start3A_50 = arith.constant 0 : i32
        %dma_start3A_51 = tpu.memref_slice %arg3[%add3A_27, %dma_start3A_50] : memref<2560x128xi32, #tpu.memory_space<hbm>> -> memref<32x128xi32, #tpu.memory_space<hbm>>
        tpu.enqueue_dma source(%dma_start3A_51 : memref<32x128xi32, #tpu.memory_space<hbm>>) target(%arg8 : memref<32x128xi32, #tpu.memory_space<vmem>>) target_semaphore(%run_scoped3A : memref<!tpu.dma_semaphore, #tpu.memory_space<semaphore_mem>>)
        %dma_wait3A = arith.constant 0 : i32
        %dma_wait3A_52 = tpu.memref_slice %arg3[%add3A_27, %dma_wait3A] : memref<2560x128xi32, #tpu.memory_space<hbm>> -> memref<32x128xi32, #tpu.memory_space<hbm>>
        %dma_wait3A_53 = arith.constant 0 : i32
        %dma_wait3A_54 = tpu.memref_slice %arg3[%add3A_27, %dma_wait3A_53] : memref<2560x128xi32, #tpu.memory_space<hbm>> -> memref<32x128xi32, #tpu.memory_space<hbm>>
        tpu.wait_dma2 semaphore(%run_scoped3A : memref<!tpu.dma_semaphore, #tpu.memory_space<semaphore_mem>>) src(%dma_wait3A_54 : memref<32x128xi32, #tpu.memory_space<hbm>>) dst(%arg8 : memref<32x128xi32, #tpu.memory_space<vmem>>)
        tpu.yield
      }) : () -> ()
      %dma_start3A = arith.constant 0 : i32
      %dma_start3A_28 = arith.constant 0 : i32
      %dma_start3A_29 = tpu.memref_slice %arg7[%dma_start3A, %dma_start3A_28] : memref<32x128xi32, #tpu.memory_space<vmem>> -> memref<1x128xi32, #tpu.memory_space<vmem>>
      %dma_start3A_30 = tpu.memref_squeeze %dma_start3A_29 : memref<1x128xi32, #tpu.memory_space<vmem>> -> memref<128xi32, #tpu.memory_space<vmem>>
      %dma_start3A_31 = arith.constant 0 : i32
      %dma_start3A_32 = arith.constant 0 : i32
      %dma_start3A_33 = tpu.memref_slice %arg4[%dma_start3A_31, %dma_start3A_32] : memref<10240x128xf32, #tpu.memory_space<hbm>> -> memref<10240x128xf32, #tpu.memory_space<hbm>>
      tpu.enqueue_indirect_dma source(%dma_start3A_33 : memref<10240x128xf32, #tpu.memory_space<hbm>>) target(%arg9 : memref<128x128xf32, #tpu.memory_space<vmem>>) offsets(%dma_start3A_30 : memref<128xi32, #tpu.memory_space<vmem>>) semaphore(%arg12 : memref<!tpu.dma_semaphore, #tpu.memory_space<semaphore_mem>>)
      %dma_start3A_34 = arith.constant 1 : i32
      %dma_start3A_35 = arith.constant 0 : i32
      %dma_start3A_36 = tpu.memref_slice %arg7[%dma_start3A_34, %dma_start3A_35] : memref<32x128xi32, #tpu.memory_space<vmem>> -> memref<1x128xi32, #tpu.memory_space<vmem>>
      %dma_start3A_37 = tpu.memref_squeeze %dma_start3A_36 : memref<1x128xi32, #tpu.memory_space<vmem>> -> memref<128xi32, #tpu.memory_space<vmem>>
      %dma_start3A_38 = arith.constant 0 : i32
      %dma_start3A_39 = arith.constant 0 : i32
      %dma_start3A_40 = tpu.memref_slice %arg4[%dma_start3A_38, %dma_start3A_39] : memref<10240x128xf32, #tpu.memory_space<hbm>> -> memref<10240x128xf32, #tpu.memory_space<hbm>>
      tpu.enqueue_indirect_dma source(%dma_start3A_40 : memref<10240x128xf32, #tpu.memory_space<hbm>>) target(%arg10 : memref<128x128xf32, #tpu.memory_space<vmem>>) offsets(%dma_start3A_37 : memref<128xi32, #tpu.memory_space<vmem>>) semaphore(%arg13 : memref<!tpu.dma_semaphore, #tpu.memory_space<semaphore_mem>>)
      %scan3A = arith.constant 0 : i32
      %scan3A_41 = arith.constant 0 : i32
      %scan3A_42 = arith.constant 16 : i32
      %scan3A_43 = arith.addi %scan3A_41, %scan3A_42 : i32
      %scan3A_44 = arith.constant 1 : i32
      %scan3A_45 = scf.for %scan3A_48 = %scan3A_41 to %scan3A_43 step %scan3A_44 iter_args(%scan3A_49 = %scan3A) -> (i32)  : i32 {
        %mul3A_50 = arith.constant 2 : i32
        %mul3A_51 = arith.muli %scan3A_48, %mul3A_50 : i32
        %add3A_52 = arith.constant 1 : i32
        %add3A_53 = arith.addi %mul3A_51, %add3A_52 : i32
        %dma_wait3A = arith.constant 0 : i32
        %dma_wait3A_54 = tpu.memref_slice %arg7[%mul3A_51, %dma_wait3A] : memref<32x128xi32, #tpu.memory_space<vmem>> -> memref<1x128xi32, #tpu.memory_space<vmem>>
        %dma_wait3A_55 = tpu.memref_squeeze %dma_wait3A_54 : memref<1x128xi32, #tpu.memory_space<vmem>> -> memref<128xi32, #tpu.memory_space<vmem>>
        %dma_wait3A_56 = arith.constant 0 : i32
        %dma_wait3A_57 = arith.constant 0 : i32
        %dma_wait3A_58 = tpu.memref_slice %arg4[%dma_wait3A_56, %dma_wait3A_57] : memref<10240x128xf32, #tpu.memory_space<hbm>> -> memref<10240x128xf32, #tpu.memory_space<hbm>>
        tpu.wait_indirect_dma semaphore(%arg12 : memref<!tpu.dma_semaphore, #tpu.memory_space<semaphore_mem>>) src(%dma_wait3A_58 : memref<10240x128xf32, #tpu.memory_space<hbm>>) dst(%arg9 : memref<128x128xf32, #tpu.memory_space<vmem>>)
        "tpu.region"() ({
          %run_scoped3A = tpu.sem_alloc : memref<!tpu.dma_semaphore, #tpu.memory_space<semaphore_mem>>
          %dma_start3A_77 = arith.constant 0 : i32
          %dma_start3A_78 = tpu.memref_slice %arg8[%mul3A_51, %dma_start3A_77] : memref<32x128xi32, #tpu.memory_space<vmem>> -> memref<1x128xi32, #tpu.memory_space<vmem>>
          %dma_start3A_79 = tpu.memref_squeeze %dma_start3A_78 : memref<1x128xi32, #tpu.memory_space<vmem>> -> memref<128xi32, #tpu.memory_space<vmem>>
          %dma_start3A_80 = arith.constant 0 : i32
          %dma_start3A_81 = arith.constant 0 : i32
          %dma_start3A_82 = tpu.memref_slice %arg11[%dma_start3A_80, %dma_start3A_81] : memref<10240x128xf32, #tpu.memory_space<vmem_shared>> -> memref<10240x128xf32, #tpu.memory_space<vmem_shared>>
          tpu.enqueue_indirect_dma source(%arg9 : memref<128x128xf32, #tpu.memory_space<vmem>>) target(%dma_start3A_82 : memref<10240x128xf32, #tpu.memory_space<vmem_shared>>) offsets(%dma_start3A_79 : memref<128xi32, #tpu.memory_space<vmem>>) semaphore(%run_scoped3A : memref<!tpu.dma_semaphore, #tpu.memory_space<semaphore_mem>>) {add = true}
          %dma_wait3A_83 = arith.constant 0 : i32
          %dma_wait3A_84 = tpu.memref_slice %arg8[%mul3A_51, %dma_wait3A_83] : memref<32x128xi32, #tpu.memory_space<vmem>> -> memref<1x128xi32, #tpu.memory_space<vmem>>
          %dma_wait3A_85 = tpu.memref_squeeze %dma_wait3A_84 : memref<1x128xi32, #tpu.memory_space<vmem>> -> memref<128xi32, #tpu.memory_space<vmem>>
          %dma_wait3A_86 = arith.constant 0 : i32
          %dma_wait3A_87 = arith.constant 0 : i32
          %dma_wait3A_88 = tpu.memref_slice %arg11[%dma_wait3A_86, %dma_wait3A_87] : memref<10240x128xf32, #tpu.memory_space<vmem_shared>> -> memref<10240x128xf32, #tpu.memory_space<vmem_shared>>
          tpu.wait_indirect_dma semaphore(%run_scoped3A : memref<!tpu.dma_semaphore, #tpu.memory_space<semaphore_mem>>) src(%arg9 : memref<128x128xf32, #tpu.memory_space<vmem>>) dst(%dma_wait3A_88 : memref<10240x128xf32, #tpu.memory_space<vmem_shared>>)
          tpu.yield
        }) : () -> ()
        %add3A_59 = arith.constant 2 : i32
        %add3A_60 = arith.addi %mul3A_51, %add3A_59 : i32
        %lt3A = arith.constant 32 : i32
        %lt3A_61 = arith.cmpi slt, %add3A_60, %lt3A : i32
        %convert_element_type3A = arith.extui %lt3A_61 : i1 to i32
        %cond3A = arith.constant 0 : i32
        %cond3A_62 = arith.cmpi ne, %convert_element_type3A, %cond3A : i32
        scf.if %cond3A_62 {
          %add3A_77 = arith.constant 2 : i32
          %add3A_78 = arith.addi %mul3A_51, %add3A_77 : i32
          %dma_start3A_79 = arith.constant 0 : i32
          %dma_start3A_80 = tpu.memref_slice %arg7[%add3A_78, %dma_start3A_79] : memref<32x128xi32, #tpu.memory_space<vmem>> -> memref<1x128xi32, #tpu.memory_space<vmem>>
          %dma_start3A_81 = tpu.memref_squeeze %dma_start3A_80 : memref<1x128xi32, #tpu.memory_space<vmem>> -> memref<128xi32, #tpu.memory_space<vmem>>
          %dma_start3A_82 = arith.constant 0 : i32
          %dma_start3A_83 = arith.constant 0 : i32
          %dma_start3A_84 = tpu.memref_slice %arg4[%dma_start3A_82, %dma_start3A_83] : memref<10240x128xf32, #tpu.memory_space<hbm>> -> memref<10240x128xf32, #tpu.memory_space<hbm>>
          tpu.enqueue_indirect_dma source(%dma_start3A_84 : memref<10240x128xf32, #tpu.memory_space<hbm>>) target(%arg9 : memref<128x128xf32, #tpu.memory_space<vmem>>) offsets(%dma_start3A_81 : memref<128xi32, #tpu.memory_space<vmem>>) semaphore(%arg12 : memref<!tpu.dma_semaphore, #tpu.memory_space<semaphore_mem>>)
        } else {
        }
        %dma_wait3A_63 = arith.constant 0 : i32
        %dma_wait3A_64 = tpu.memref_slice %arg7[%add3A_53, %dma_wait3A_63] : memref<32x128xi32, #tpu.memory_space<vmem>> -> memref<1x128xi32, #tpu.memory_space<vmem>>
        %dma_wait3A_65 = tpu.memref_squeeze %dma_wait3A_64 : memref<1x128xi32, #tpu.memory_space<vmem>> -> memref<128xi32, #tpu.memory_space<vmem>>
        %dma_wait3A_66 = arith.constant 0 : i32
        %dma_wait3A_67 = arith.constant 0 : i32
        %dma_wait3A_68 = tpu.memref_slice %arg4[%dma_wait3A_66, %dma_wait3A_67] : memref<10240x128xf32, #tpu.memory_space<hbm>> -> memref<10240x128xf32, #tpu.memory_space<hbm>>
        tpu.wait_indirect_dma semaphore(%arg13 : memref<!tpu.dma_semaphore, #tpu.memory_space<semaphore_mem>>) src(%dma_wait3A_68 : memref<10240x128xf32, #tpu.memory_space<hbm>>) dst(%arg10 : memref<128x128xf32, #tpu.memory_space<vmem>>)
        "tpu.region"() ({
          %run_scoped3A = tpu.sem_alloc : memref<!tpu.dma_semaphore, #tpu.memory_space<semaphore_mem>>
          %dma_start3A_77 = arith.constant 0 : i32
          %dma_start3A_78 = tpu.memref_slice %arg8[%add3A_53, %dma_start3A_77] : memref<32x128xi32, #tpu.memory_space<vmem>> -> memref<1x128xi32, #tpu.memory_space<vmem>>
          %dma_start3A_79 = tpu.memref_squeeze %dma_start3A_78 : memref<1x128xi32, #tpu.memory_space<vmem>> -> memref<128xi32, #tpu.memory_space<vmem>>
          %dma_start3A_80 = arith.constant 0 : i32
          %dma_start3A_81 = arith.constant 0 : i32
          %dma_start3A_82 = tpu.memref_slice %arg11[%dma_start3A_80, %dma_start3A_81] : memref<10240x128xf32, #tpu.memory_space<vmem_shared>> -> memref<10240x128xf32, #tpu.memory_space<vmem_shared>>
          tpu.enqueue_indirect_dma source(%arg10 : memref<128x128xf32, #tpu.memory_space<vmem>>) target(%dma_start3A_82 : memref<10240x128xf32, #tpu.memory_space<vmem_shared>>) offsets(%dma_start3A_79 : memref<128xi32, #tpu.memory_space<vmem>>) semaphore(%run_scoped3A : memref<!tpu.dma_semaphore, #tpu.memory_space<semaphore_mem>>) {add = true}
          %dma_wait3A_83 = arith.constant 0 : i32
          %dma_wait3A_84 = tpu.memref_slice %arg8[%add3A_53, %dma_wait3A_83] : memref<32x128xi32, #tpu.memory_space<vmem>> -> memref<1x128xi32, #tpu.memory_space<vmem>>
          %dma_wait3A_85 = tpu.memref_squeeze %dma_wait3A_84 : memref<1x128xi32, #tpu.memory_space<vmem>> -> memref<128xi32, #tpu.memory_space<vmem>>
          %dma_wait3A_86 = arith.constant 0 : i32
          %dma_wait3A_87 = arith.constant 0 : i32
          %dma_wait3A_88 = tpu.memref_slice %arg11[%dma_wait3A_86, %dma_wait3A_87] : memref<10240x128xf32, #tpu.memory_space<vmem_shared>> -> memref<10240x128xf32, #tpu.memory_space<vmem_shared>>
          tpu.wait_indirect_dma semaphore(%run_scoped3A : memref<!tpu.dma_semaphore, #tpu.memory_space<semaphore_mem>>) src(%arg10 : memref<128x128xf32, #tpu.memory_space<vmem>>) dst(%dma_wait3A_88 : memref<10240x128xf32, #tpu.memory_space<vmem_shared>>)
          tpu.yield
        }) : () -> ()
        %add3A_69 = arith.constant 2 : i32
        %add3A_70 = arith.addi %add3A_53, %add3A_69 : i32
        %lt3A_71 = arith.constant 32 : i32
        %lt3A_72 = arith.cmpi slt, %add3A_70, %lt3A_71 : i32
        %convert_element_type3A_73 = arith.extui %lt3A_72 : i1 to i32
        %cond3A_74 = arith.constant 0 : i32
        %cond3A_75 = arith.cmpi ne, %convert_element_type3A_73, %cond3A_74 : i32
        scf.if %cond3A_75 {
          %add3A_77 = arith.constant 2 : i32
          %add3A_78 = arith.addi %add3A_53, %add3A_77 : i32
          %dma_start3A_79 = arith.constant 0 : i32
          %dma_start3A_80 = tpu.memref_slice %arg7[%add3A_78, %dma_start3A_79] : memref<32x128xi32, #tpu.memory_space<vmem>> -> memref<1x128xi32, #tpu.memory_space<vmem>>
          %dma_start3A_81 = tpu.memref_squeeze %dma_start3A_80 : memref<1x128xi32, #tpu.memory_space<vmem>> -> memref<128xi32, #tpu.memory_space<vmem>>
          %dma_start3A_82 = arith.constant 0 : i32
          %dma_start3A_83 = arith.constant 0 : i32
          %dma_start3A_84 = tpu.memref_slice %arg4[%dma_start3A_82, %dma_start3A_83] : memref<10240x128xf32, #tpu.memory_space<hbm>> -> memref<10240x128xf32, #tpu.memory_space<hbm>>
          tpu.enqueue_indirect_dma source(%dma_start3A_84 : memref<10240x128xf32, #tpu.memory_space<hbm>>) target(%arg10 : memref<128x128xf32, #tpu.memory_space<vmem>>) offsets(%dma_start3A_81 : memref<128xi32, #tpu.memory_space<vmem>>) semaphore(%arg13 : memref<!tpu.dma_semaphore, #tpu.memory_space<semaphore_mem>>)
        } else {
        }
        %scan3A_76 = arith.constant 0 : i32
        scf.yield %scan3A_76 : i32
      }
      %scan3A_46 = arith.constant 16 : i32
      %while3A_47 = arith.constant 0 : i32
      scf.yield %while3A_47 : i32
    }
    %barrier3A_22 = arith.constant 0 : index
    tpu.barrier barrier_id(%barrier3A_22)
    "tpu.region"() ({
      %run_scoped3A = tpu.sem_alloc : memref<!tpu.dma_semaphore, #tpu.memory_space<semaphore_mem>>
      %dma_start3A = arith.constant 0 : i32
      %dma_start3A_23 = tpu.memref_slice %arg6[%arg0, %mul3A_0, %dma_start3A] : memref<2x10240x128xf32, #tpu.memory_space<hbm>> -> memref<1x640x128xf32, #tpu.memory_space<hbm>>
      %dma_start3A_24 = tpu.memref_squeeze %dma_start3A_23 : memref<1x640x128xf32, #tpu.memory_space<hbm>> -> memref<640x128xf32, #tpu.memory_space<hbm>>
      %dma_start3A_25 = arith.constant 0 : i32
      %dma_start3A_26 = tpu.memref_slice %arg11[%mul3A_0, %dma_start3A_25] : memref<10240x128xf32, #tpu.memory_space<vmem_shared>> -> memref<640x128xf32, #tpu.memory_space<vmem_shared>>
      tpu.enqueue_dma source(%dma_start3A_26 : memref<640x128xf32, #tpu.memory_space<vmem_shared>>) target(%dma_start3A_24 : memref<640x128xf32, #tpu.memory_space<hbm>>) target_semaphore(%run_scoped3A : memref<!tpu.dma_semaphore, #tpu.memory_space<semaphore_mem>>)
      %dma_wait3A = arith.constant 0 : i32
      %dma_wait3A_27 = tpu.memref_slice %arg6[%arg0, %mul3A_0, %dma_wait3A] : memref<2x10240x128xf32, #tpu.memory_space<hbm>> -> memref<1x640x128xf32, #tpu.memory_space<hbm>>
      %dma_wait3A_28 = tpu.memref_squeeze %dma_wait3A_27 : memref<1x640x128xf32, #tpu.memory_space<hbm>> -> memref<640x128xf32, #tpu.memory_space<hbm>>
      %dma_wait3A_29 = arith.constant 0 : i32
      %dma_wait3A_30 = tpu.memref_slice %arg11[%mul3A_0, %dma_wait3A_29] : memref<10240x128xf32, #tpu.memory_space<vmem_shared>> -> memref<640x128xf32, #tpu.memory_space<vmem_shared>>
      tpu.wait_dma2 semaphore(%run_scoped3A : memref<!tpu.dma_semaphore, #tpu.memory_space<semaphore_mem>>) src(%dma_wait3A_30 : memref<640x128xf32, #tpu.memory_space<vmem_shared>>) dst(%dma_wait3A_28 : memref<640x128xf32, #tpu.memory_space<hbm>>)
      tpu.yield
    }) : () -> ()
    return
  }
}

module attributes {stable_mosaic.version = 14 : i64} {
  func.func @_tc_in_body(%arg0: i32, %arg1: memref<1024x128xf32, #tpu.memory_space<vmem>>, %arg2: memref<2x1024x16xf32, #tpu.memory_space<vmem>>, %arg3: memref<128x128xf32, #tpu.memory_space<vmem>>, %arg4: memref<1024x128xf32, #tpu.memory_space<vmem>>) attributes {dimension_semantics = [#tpu.dimension_semantics<arbitrary>], iteration_bounds = array<i64: 10>, scalar_prefetch = 0 : i64, scratch_operands = 0 : i64, tpu.core_type = #tpu.core_type<tc>, window_params = [{transform_indices = @transform_0, window_bounds = array<i64: 1024, 128>}, {transform_indices = @transform_1, window_bounds = array<i64: 2, 1024, 16>}, {pipeline_mode = #tpu.pipeline_mode<synchronous>, transform_indices = @transform_2, window_bounds = array<i64: 128, 128>}, {transform_indices = @transform_3, window_bounds = array<i64: 1024, 128>}]} {
    %get3A = arith.constant 0 : index
    %get3A_0 = arith.constant 0 : index
    %get3A_1 = arith.constant 0 : index
    %get3A_2 = vector.load %arg2[%get3A, %get3A_0, %get3A_1] : memref<2x1024x16xf32, #tpu.memory_space<vmem>>, vector<2x1024x16xf32>
    %slice3A = vector.extract_strided_slice %get3A_2 {offsets = [0, 0, 0], sizes = [1, 1024, 16], strides = [1, 1, 1]} : vector<2x1024x16xf32> to vector<1x1024x16xf32>
    %squeeze3A = vector.shape_cast %slice3A : vector<1x1024x16xf32> to vector<1024x16xf32>
    %slice3A_3 = vector.extract_strided_slice %get3A_2 {offsets = [1, 0, 0], sizes = [1, 1024, 16], strides = [1, 1, 1]} : vector<2x1024x16xf32> to vector<1x1024x16xf32>
    %squeeze3A_4 = vector.shape_cast %slice3A_3 : vector<1x1024x16xf32> to vector<1024x16xf32>
    %add3A = arith.addf %squeeze3A, %squeeze3A_4 : vector<1024x16xf32>
    %add3A_5 = arith.constant 1.000000e+00 : f32
    %add3A_6 = vector.broadcast %add3A_5 : f32 to vector<1024x16xf32>
    %add3A_7 = arith.addf %add3A, %add3A_6 : vector<1024x16xf32>
    %slice3A_8 = vector.extract_strided_slice %add3A_7 {offsets = [0, 0], sizes = [1024, 1], strides = [1, 1]} : vector<1024x16xf32> to vector<1024x1xf32>
    %rsqrt3A = math.rsqrt %slice3A_8 : vector<1024x1xf32>
    %get3A_9 = arith.constant 0 : index
    %get3A_10 = arith.constant 0 : index
    %get3A_11 = vector.load %arg1[%get3A_9, %get3A_10] : memref<1024x128xf32, #tpu.memory_space<vmem>>, vector<1024x128xf32>
    %get3A_12 = arith.constant 0 : index
    %get3A_13 = arith.constant 0 : index
    %get3A_14 = vector.load %arg3[%get3A_12, %get3A_13] : memref<128x128xf32, #tpu.memory_space<vmem>>, vector<128x128xf32>
    %dot_general3A = arith.constant dense<0.000000e+00> : vector<1024x128xf32>
    %dot_general3A_15 = tpu.matmul %get3A_11, %get3A_14, %dot_general3A {dimension_numbers = #tpu.dot_dimension_numbers<[1], [0], [0], [1], [0, 0, 1, 1], [], []>, transpose_lhs_hint = false} : vector<1024x128xf32>, vector<128x128xf32>, vector<1024x128xf32> -> vector<1024x128xf32>
    %mul3A = vector.broadcast %rsqrt3A : vector<1024x1xf32> to vector<1024x128xf32>
    %mul3A_16 = arith.mulf %dot_general3A_15, %mul3A : vector<1024x128xf32>
    %swap3A = arith.constant 0 : index
    %swap3A_17 = arith.constant 0 : index
    %swap3A_18 = vector.load %arg4[%swap3A, %swap3A_17] : memref<1024x128xf32, #tpu.memory_space<vmem>>, vector<1024x128xf32>
    tpu.vector_store %arg4[%swap3A, %swap3A_17], %mul3A_16 {strides = array<i32>} : memref<1024x128xf32, #tpu.memory_space<vmem>>, vector<1024x128xf32>,
    return
  }
  func.func @transform_0(%arg0: i32) -> (i32, i32) {
    %c0_i32 = arith.constant 0 : i32
    %c0_i32_0 = arith.constant 0 : i32
    return %arg0, %c0_i32 : i32, i32
  }
  func.func @transform_1(%arg0: i32) -> (i32, i32, i32) {
    %c0_i32 = arith.constant 0 : i32
    %c0_i32_0 = arith.constant 0 : i32
    %c0_i32_1 = arith.constant 0 : i32
    return %c0_i32, %arg0, %c0_i32_0 : i32, i32, i32
  }
  func.func @transform_2(%arg0: i32) -> (i32, i32) {
    %c0_i32 = arith.constant 0 : i32
    %c0_i32_0 = arith.constant 0 : i32
    %c0_i32_1 = arith.constant 0 : i32
    return %c0_i32, %c0_i32_0 : i32, i32
  }
  func.func @transform_3(%arg0: i32) -> (i32, i32) {
    %c0_i32 = arith.constant 0 : i32
    %c0_i32_0 = arith.constant 0 : i32
    return %arg0, %c0_i32 : i32, i32
  }
}

module attributes {stable_mosaic.version = 14 : i64} {
  func.func @_tc_mid_body(%arg0: i32, %arg1: memref<2x1024x128xf32, #tpu.memory_space<vmem>>, %arg2: memref<1024x128xf32, #tpu.memory_space<vmem>>, %arg3: memref<2x1024x16xf32, #tpu.memory_space<vmem>>, %arg4: memref<1x128xf32, #tpu.memory_space<vmem>>, %arg5: memref<128x128xf32, #tpu.memory_space<vmem>>, %arg6: memref<1024x128xf32, #tpu.memory_space<vmem>>) attributes {dimension_semantics = [#tpu.dimension_semantics<arbitrary>], iteration_bounds = array<i64: 10>, scalar_prefetch = 0 : i64, scratch_operands = 0 : i64, tpu.core_type = #tpu.core_type<tc>, window_params = [{transform_indices = @transform_0, window_bounds = array<i64: 2, 1024, 128>}, {transform_indices = @transform_1, window_bounds = array<i64: 1024, 128>}, {transform_indices = @transform_2, window_bounds = array<i64: 2, 1024, 16>}, {pipeline_mode = #tpu.pipeline_mode<synchronous>, transform_indices = @transform_3, window_bounds = array<i64: 1, 128>}, {pipeline_mode = #tpu.pipeline_mode<synchronous>, transform_indices = @transform_4, window_bounds = array<i64: 128, 128>}, {transform_indices = @transform_5, window_bounds = array<i64: 1024, 128>}]} {
    %get3A = arith.constant 0 : index
    %get3A_0 = arith.constant 0 : index
    %get3A_1 = arith.constant 0 : index
    %get3A_2 = vector.load %arg3[%get3A, %get3A_0, %get3A_1] : memref<2x1024x16xf32, #tpu.memory_space<vmem>>, vector<2x1024x16xf32>
    %slice3A = vector.extract_strided_slice %get3A_2 {offsets = [0, 0, 0], sizes = [1, 1024, 16], strides = [1, 1, 1]} : vector<2x1024x16xf32> to vector<1x1024x16xf32>
    %squeeze3A = vector.shape_cast %slice3A : vector<1x1024x16xf32> to vector<1024x16xf32>
    %slice3A_3 = vector.extract_strided_slice %get3A_2 {offsets = [1, 0, 0], sizes = [1, 1024, 16], strides = [1, 1, 1]} : vector<2x1024x16xf32> to vector<1x1024x16xf32>
    %squeeze3A_4 = vector.shape_cast %slice3A_3 : vector<1x1024x16xf32> to vector<1024x16xf32>
    %add3A = arith.addf %squeeze3A, %squeeze3A_4 : vector<1024x16xf32>
    %add3A_5 = arith.constant 1.000000e+00 : f32
    %add3A_6 = vector.broadcast %add3A_5 : f32 to vector<1024x16xf32>
    %add3A_7 = arith.addf %add3A, %add3A_6 : vector<1024x16xf32>
    %slice3A_8 = vector.extract_strided_slice %add3A_7 {offsets = [0, 0], sizes = [1024, 1], strides = [1, 1]} : vector<1024x16xf32> to vector<1024x1xf32>
    %rsqrt3A = math.rsqrt %slice3A_8 : vector<1024x1xf32>
    %get3A_9 = arith.constant 0 : index
    %get3A_10 = arith.constant 0 : index
    %get3A_11 = arith.constant 0 : index
    %get3A_12 = vector.load %arg1[%get3A_9, %get3A_10, %get3A_11] : memref<2x1024x128xf32, #tpu.memory_space<vmem>>, vector<2x1024x128xf32>
    %slice3A_13 = vector.extract_strided_slice %get3A_12 {offsets = [0, 0, 0], sizes = [1, 1024, 128], strides = [1, 1, 1]} : vector<2x1024x128xf32> to vector<1x1024x128xf32>
    %squeeze3A_14 = vector.shape_cast %slice3A_13 : vector<1x1024x128xf32> to vector<1024x128xf32>
    %slice3A_15 = vector.extract_strided_slice %get3A_12 {offsets = [1, 0, 0], sizes = [1, 1024, 128], strides = [1, 1, 1]} : vector<2x1024x128xf32> to vector<1x1024x128xf32>
    %squeeze3A_16 = vector.shape_cast %slice3A_15 : vector<1x1024x128xf32> to vector<1024x128xf32>
    %add3A_17 = arith.addf %squeeze3A_14, %squeeze3A_16 : vector<1024x128xf32>
    %get3A_18 = arith.constant 0 : index
    %get3A_19 = arith.constant 0 : index
    %get3A_20 = vector.load %arg2[%get3A_18, %get3A_19] : memref<1024x128xf32, #tpu.memory_space<vmem>>, vector<1024x128xf32>
    %add3A_21 = arith.addf %add3A_17, %get3A_20 : vector<1024x128xf32>
    %mul3A = vector.broadcast %rsqrt3A : vector<1024x1xf32> to vector<1024x128xf32>
    %mul3A_22 = arith.mulf %add3A_21, %mul3A : vector<1024x128xf32>
    %get3A_23 = arith.constant 0 : index
    %get3A_24 = arith.constant 0 : index
    %get3A_25 = vector.load %arg4[%get3A_23, %get3A_24] : memref<1x128xf32, #tpu.memory_space<vmem>>, vector<1x128xf32>
    %add3A_26 = vector.broadcast %get3A_25 : vector<1x128xf32> to vector<1024x128xf32>
    %add3A_27 = arith.addf %mul3A_22, %add3A_26 : vector<1024x128xf32>
    %max3A = arith.constant 0.000000e+00 : f32
    %max3A_28 = vector.broadcast %max3A : f32 to vector<1024x128xf32>
    %max3A_29 = arith.maximumf %add3A_27, %max3A_28 : vector<1024x128xf32>
    %get3A_30 = arith.constant 0 : index
    %get3A_31 = arith.constant 0 : index
    %get3A_32 = vector.load %arg5[%get3A_30, %get3A_31] : memref<128x128xf32, #tpu.memory_space<vmem>>, vector<128x128xf32>
    %dot_general3A = arith.constant dense<0.000000e+00> : vector<1024x128xf32>
    %dot_general3A_33 = tpu.matmul %max3A_29, %get3A_32, %dot_general3A {dimension_numbers = #tpu.dot_dimension_numbers<[1], [0], [0], [1], [0, 0, 1, 1], [], []>, transpose_lhs_hint = false} : vector<1024x128xf32>, vector<128x128xf32>, vector<1024x128xf32> -> vector<1024x128xf32>
    %mul3A_34 = vector.broadcast %rsqrt3A : vector<1024x1xf32> to vector<1024x128xf32>
    %mul3A_35 = arith.mulf %dot_general3A_33, %mul3A_34 : vector<1024x128xf32>
    %swap3A = arith.constant 0 : index
    %swap3A_36 = arith.constant 0 : index
    %swap3A_37 = vector.load %arg6[%swap3A, %swap3A_36] : memref<1024x128xf32, #tpu.memory_space<vmem>>, vector<1024x128xf32>
    tpu.vector_store %arg6[%swap3A, %swap3A_36], %mul3A_35 {strides = array<i32>} : memref<1024x128xf32, #tpu.memory_space<vmem>>, vector<1024x128xf32>,
    return
  }
  func.func @transform_0(%arg0: i32) -> (i32, i32, i32) {
    %c0_i32 = arith.constant 0 : i32
    %c0_i32_0 = arith.constant 0 : i32
    %c0_i32_1 = arith.constant 0 : i32
    return %c0_i32, %arg0, %c0_i32_0 : i32, i32, i32
  }
  func.func @transform_1(%arg0: i32) -> (i32, i32) {
    %c0_i32 = arith.constant 0 : i32
    %c0_i32_0 = arith.constant 0 : i32
    return %arg0, %c0_i32 : i32, i32
  }
  func.func @transform_2(%arg0: i32) -> (i32, i32, i32) {
    %c0_i32 = arith.constant 0 : i32
    %c0_i32_0 = arith.constant 0 : i32
    %c0_i32_1 = arith.constant 0 : i32
    return %c0_i32, %arg0, %c0_i32_0 : i32, i32, i32
  }
  func.func @transform_3(%arg0: i32) -> (i32, i32) {
    %c0_i32 = arith.constant 0 : i32
    %c0_i32_0 = arith.constant 0 : i32
    %c0_i32_1 = arith.constant 0 : i32
    return %c0_i32, %c0_i32_0 : i32, i32
  }
  func.func @transform_4(%arg0: i32) -> (i32, i32) {
    %c0_i32 = arith.constant 0 : i32
    %c0_i32_0 = arith.constant 0 : i32
    %c0_i32_1 = arith.constant 0 : i32
    return %c0_i32, %c0_i32_0 : i32, i32
  }
  func.func @transform_5(%arg0: i32) -> (i32, i32) {
    %c0_i32 = arith.constant 0 : i32
    %c0_i32_0 = arith.constant 0 : i32
    return %arg0, %c0_i32 : i32, i32
  }
}

module attributes {stable_mosaic.version = 14 : i64} {
  func.func @_tc_fin_body(%arg0: i32, %arg1: memref<2x1024x128xf32, #tpu.memory_space<vmem>>, %arg2: memref<1024x128xf32, #tpu.memory_space<vmem>>, %arg3: memref<2x1024x16xf32, #tpu.memory_space<vmem>>, %arg4: memref<1x128xf32, #tpu.memory_space<vmem>>, %arg5: memref<1024x1xi32, #tpu.memory_space<vmem>>, %arg6: memref<128x10xf32, #tpu.memory_space<vmem>>, %arg7: memref<1x10xf32, #tpu.memory_space<vmem>>, %arg8: memref<64x10xf32, #tpu.memory_space<vmem>>, %arg9: memref<64x128xf32, #tpu.memory_space<vmem>>, %arg10: memref<64x128xf32, #tpu.memory_space<vmem>>) attributes {dimension_semantics = [#tpu.dimension_semantics<arbitrary>], iteration_bounds = array<i64: 10>, scalar_prefetch = 0 : i64, scratch_operands = 2 : i64, tpu.core_type = #tpu.core_type<tc>, window_params = [{transform_indices = @transform_0, window_bounds = array<i64: 2, 1024, 128>}, {transform_indices = @transform_1, window_bounds = array<i64: 1024, 128>}, {transform_indices = @transform_2, window_bounds = array<i64: 2, 1024, 16>}, {pipeline_mode = #tpu.pipeline_mode<synchronous>, transform_indices = @transform_3, window_bounds = array<i64: 1, 128>}, {transform_indices = @transform_4, window_bounds = array<i64: 1024, 1>}, {pipeline_mode = #tpu.pipeline_mode<synchronous>, transform_indices = @transform_5, window_bounds = array<i64: 128, 10>}, {pipeline_mode = #tpu.pipeline_mode<synchronous>, transform_indices = @transform_6, window_bounds = array<i64: 1, 10>}, {pipeline_mode = #tpu.pipeline_mode<synchronous>, transform_indices = @transform_7, window_bounds = array<i64: 64, 10>}]} {
    %eq3A = arith.constant 0 : i32
    %eq3A_0 = arith.cmpi eq, %arg0, %eq3A : i32
    %convert_element_type3A = arith.extui %eq3A_0 : i1 to i32
    %cond3A = arith.constant 0 : i32
    %cond3A_1 = arith.cmpi ne, %convert_element_type3A, %cond3A : i32
    scf.if %cond3A_1 {
      %broadcast_in_dim3A_60 = arith.constant 0.000000e+00 : f32
      %broadcast_in_dim3A_61 = vector.broadcast %broadcast_in_dim3A_60 : f32 to vector<64x128xf32>
      %swap3A_62 = arith.constant 0 : index
      %swap3A_63 = arith.constant 0 : index
      %swap3A_64 = vector.load %arg9[%swap3A_62, %swap3A_63] : memref<64x128xf32, #tpu.memory_space<vmem>>, vector<64x128xf32>
      tpu.vector_store %arg9[%swap3A_62, %swap3A_63], %broadcast_in_dim3A_61 {strides = array<i32>} : memref<64x128xf32, #tpu.memory_space<vmem>>, vector<64x128xf32>,
      %broadcast_in_dim3A_65 = arith.constant 0.000000e+00 : f32
      %broadcast_in_dim3A_66 = vector.broadcast %broadcast_in_dim3A_65 : f32 to vector<64x128xf32>
      %swap3A_67 = arith.constant 0 : index
      %swap3A_68 = arith.constant 0 : index
      %swap3A_69 = vector.load %arg10[%swap3A_67, %swap3A_68] : memref<64x128xf32, #tpu.memory_space<vmem>>, vector<64x128xf32>
      tpu.vector_store %arg10[%swap3A_67, %swap3A_68], %broadcast_in_dim3A_66 {strides = array<i32>} : memref<64x128xf32, #tpu.memory_space<vmem>>, vector<64x128xf32>,
    } else {
    }
    %get3A = arith.constant 0 : index
    %get3A_2 = arith.constant 0 : index
    %get3A_3 = arith.constant 0 : index
    %get3A_4 = vector.load %arg3[%get3A, %get3A_2, %get3A_3] : memref<2x1024x16xf32, #tpu.memory_space<vmem>>, vector<2x1024x16xf32>
    %slice3A = vector.extract_strided_slice %get3A_4 {offsets = [0, 0, 0], sizes = [1, 1024, 16], strides = [1, 1, 1]} : vector<2x1024x16xf32> to vector<1x1024x16xf32>
    %squeeze3A = vector.shape_cast %slice3A : vector<1x1024x16xf32> to vector<1024x16xf32>
    %slice3A_5 = vector.extract_strided_slice %get3A_4 {offsets = [1, 0, 0], sizes = [1, 1024, 16], strides = [1, 1, 1]} : vector<2x1024x16xf32> to vector<1x1024x16xf32>
    %squeeze3A_6 = vector.shape_cast %slice3A_5 : vector<1x1024x16xf32> to vector<1024x16xf32>
    %add3A = arith.addf %squeeze3A, %squeeze3A_6 : vector<1024x16xf32>
    %add3A_7 = arith.constant 1.000000e+00 : f32
    %add3A_8 = vector.broadcast %add3A_7 : f32 to vector<1024x16xf32>
    %add3A_9 = arith.addf %add3A, %add3A_8 : vector<1024x16xf32>
    %slice3A_10 = vector.extract_strided_slice %add3A_9 {offsets = [0, 0], sizes = [1024, 1], strides = [1, 1]} : vector<1024x16xf32> to vector<1024x1xf32>
    %rsqrt3A = math.rsqrt %slice3A_10 : vector<1024x1xf32>
    %get3A_11 = arith.constant 0 : index
    %get3A_12 = arith.constant 0 : index
    %get3A_13 = arith.constant 0 : index
    %get3A_14 = vector.load %arg1[%get3A_11, %get3A_12, %get3A_13] : memref<2x1024x128xf32, #tpu.memory_space<vmem>>, vector<2x1024x128xf32>
    %slice3A_15 = vector.extract_strided_slice %get3A_14 {offsets = [0, 0, 0], sizes = [1, 1024, 128], strides = [1, 1, 1]} : vector<2x1024x128xf32> to vector<1x1024x128xf32>
    %squeeze3A_16 = vector.shape_cast %slice3A_15 : vector<1x1024x128xf32> to vector<1024x128xf32>
    %slice3A_17 = vector.extract_strided_slice %get3A_14 {offsets = [1, 0, 0], sizes = [1, 1024, 128], strides = [1, 1, 1]} : vector<2x1024x128xf32> to vector<1x1024x128xf32>
    %squeeze3A_18 = vector.shape_cast %slice3A_17 : vector<1x1024x128xf32> to vector<1024x128xf32>
    %add3A_19 = arith.addf %squeeze3A_16, %squeeze3A_18 : vector<1024x128xf32>
    %get3A_20 = arith.constant 0 : index
    %get3A_21 = arith.constant 0 : index
    %get3A_22 = vector.load %arg2[%get3A_20, %get3A_21] : memref<1024x128xf32, #tpu.memory_space<vmem>>, vector<1024x128xf32>
    %add3A_23 = arith.addf %add3A_19, %get3A_22 : vector<1024x128xf32>
    %mul3A = vector.broadcast %rsqrt3A : vector<1024x1xf32> to vector<1024x128xf32>
    %mul3A_24 = arith.mulf %add3A_23, %mul3A : vector<1024x128xf32>
    %get3A_25 = arith.constant 0 : index
    %get3A_26 = arith.constant 0 : index
    %get3A_27 = vector.load %arg4[%get3A_25, %get3A_26] : memref<1x128xf32, #tpu.memory_space<vmem>>, vector<1x128xf32>
    %add3A_28 = vector.broadcast %get3A_27 : vector<1x128xf32> to vector<1024x128xf32>
    %add3A_29 = arith.addf %mul3A_24, %add3A_28 : vector<1024x128xf32>
    %max3A = arith.constant 0.000000e+00 : f32
    %max3A_30 = vector.broadcast %max3A : f32 to vector<1024x128xf32>
    %max3A_31 = arith.maximumf %add3A_29, %max3A_30 : vector<1024x128xf32>
    %iota3A = tpu.iota {dimensions = array<i32: 1>} : vector<1024x64xi32>
    %get3A_32 = arith.constant 0 : index
    %get3A_33 = arith.constant 0 : index
    %get3A_34 = vector.load %arg5[%get3A_32, %get3A_33] : memref<1024x1xi32, #tpu.memory_space<vmem>>, vector<1024x1xi32>
    %eq3A_35 = vector.broadcast %get3A_34 : vector<1024x1xi32> to vector<1024x64xi32>
    %eq3A_36 = arith.cmpi eq, %eq3A_35, %iota3A : vector<1024x64xi32>
    %convert_element_type3A_37 = arith.extui %eq3A_36 : vector<1024x64xi1> to vector<1024x64xi32>
    %convert_element_type3A_38 = arith.sitofp %convert_element_type3A_37 : vector<1024x64xi32> to vector<1024x64xf32>
    %get3A_39 = arith.constant 0 : index
    %get3A_40 = arith.constant 0 : index
    %get3A_41 = vector.load %arg9[%get3A_39, %get3A_40] : memref<64x128xf32, #tpu.memory_space<vmem>>, vector<64x128xf32>
    %dot_general3A = arith.constant dense<0.000000e+00> : vector<64x128xf32>
    %dot_general3A_42 = tpu.matmul %convert_element_type3A_38, %max3A_31, %dot_general3A {dimension_numbers = #tpu.dot_dimension_numbers<[0], [0], [1], [1], [0, 1, 1, 1], [], []>, transpose_lhs_hint = false} : vector<1024x64xf32>, vector<1024x128xf32>, vector<64x128xf32> -> vector<64x128xf32>
    %add3A_43 = arith.addf %get3A_41, %dot_general3A_42 : vector<64x128xf32>
    %swap3A = arith.constant 0 : index
    %swap3A_44 = arith.constant 0 : index
    %swap3A_45 = vector.load %arg9[%swap3A, %swap3A_44] : memref<64x128xf32, #tpu.memory_space<vmem>>, vector<64x128xf32>
    tpu.vector_store %arg9[%swap3A, %swap3A_44], %add3A_43 {strides = array<i32>} : memref<64x128xf32, #tpu.memory_space<vmem>>, vector<64x128xf32>,
    %get3A_46 = arith.constant 0 : index
    %get3A_47 = arith.constant 0 : index
    %get3A_48 = vector.load %arg10[%get3A_46, %get3A_47] : memref<64x128xf32, #tpu.memory_space<vmem>>, vector<64x128xf32>
    %reduce_sum3A = arith.constant dense<0.000000e+00> : vector<64xf32>
    %reduce_sum3A_49 = vector.multi_reduction <add>, %convert_element_type3A_38, %reduce_sum3A [0] : vector<1024x64xf32> to vector<64xf32>
    %broadcast_in_dim3A = vector.shape_cast %reduce_sum3A_49 : vector<64xf32> to vector<64x1xf32>
    %add3A_50 = vector.broadcast %broadcast_in_dim3A : vector<64x1xf32> to vector<64x128xf32>
    %add3A_51 = arith.addf %get3A_48, %add3A_50 : vector<64x128xf32>
    %swap3A_52 = arith.constant 0 : index
    %swap3A_53 = arith.constant 0 : index
    %swap3A_54 = vector.load %arg10[%swap3A_52, %swap3A_53] : memref<64x128xf32, #tpu.memory_space<vmem>>, vector<64x128xf32>
    tpu.vector_store %arg10[%swap3A_52, %swap3A_53], %add3A_51 {strides = array<i32>} : memref<64x128xf32, #tpu.memory_space<vmem>>, vector<64x128xf32>,
    %eq3A_55 = arith.constant 9 : i32
    %eq3A_56 = arith.cmpi eq, %arg0, %eq3A_55 : i32
    %convert_element_type3A_57 = arith.extui %eq3A_56 : i1 to i32
    %cond3A_58 = arith.constant 0 : i32
    %cond3A_59 = arith.cmpi ne, %convert_element_type3A_57, %cond3A_58 : i32
    scf.if %cond3A_59 {
      %get3A_60 = arith.constant 0 : index
      %get3A_61 = arith.constant 0 : index
      %get3A_62 = vector.load %arg9[%get3A_60, %get3A_61] : memref<64x128xf32, #tpu.memory_space<vmem>>, vector<64x128xf32>
      %get3A_63 = arith.constant 0 : index
      %get3A_64 = arith.constant 0 : index
      %get3A_65 = vector.load %arg10[%get3A_63, %get3A_64] : memref<64x128xf32, #tpu.memory_space<vmem>>, vector<64x128xf32>
      %max3A_66 = arith.constant 1.000000e+00 : f32
      %max3A_67 = vector.broadcast %max3A_66 : f32 to vector<64x128xf32>
      %max3A_68 = arith.maximumf %get3A_65, %max3A_67 : vector<64x128xf32>
      %div3A = arith.divf %get3A_62, %max3A_68 : vector<64x128xf32>
      %get3A_69 = arith.constant 0 : index
      %get3A_70 = arith.constant 0 : index
      %get3A_71 = vector.load %arg6[%get3A_69, %get3A_70] : memref<128x10xf32, #tpu.memory_space<vmem>>, vector<128x10xf32>
      %dot_general3A_72 = arith.constant dense<0.000000e+00> : vector<64x10xf32>
      %dot_general3A_73 = tpu.matmul %div3A, %get3A_71, %dot_general3A_72 {dimension_numbers = #tpu.dot_dimension_numbers<[1], [0], [0], [1], [0, 0, 1, 1], [], []>, transpose_lhs_hint = false} : vector<64x128xf32>, vector<128x10xf32>, vector<64x10xf32> -> vector<64x10xf32>
      %get3A_74 = arith.constant 0 : index
      %get3A_75 = arith.constant 0 : index
      %get3A_76 = vector.load %arg7[%get3A_74, %get3A_75] : memref<1x10xf32, #tpu.memory_space<vmem>>, vector<1x10xf32>
      %add3A_77 = vector.broadcast %get3A_76 : vector<1x10xf32> to vector<64x10xf32>
      %add3A_78 = arith.addf %dot_general3A_73, %add3A_77 : vector<64x10xf32>
      %swap3A_79 = arith.constant 0 : index
      %swap3A_80 = arith.constant 0 : index
      %swap3A_81 = vector.load %arg8[%swap3A_79, %swap3A_80] : memref<64x10xf32, #tpu.memory_space<vmem>>, vector<64x10xf32>
      tpu.vector_store %arg8[%swap3A_79, %swap3A_80], %add3A_78 {strides = array<i32>} : memref<64x10xf32, #tpu.memory_space<vmem>>, vector<64x10xf32>,
    } else {
    }
    return
  }
  func.func @transform_0(%arg0: i32) -> (i32, i32, i32) {
    %c0_i32 = arith.constant 0 : i32
    %c0_i32_0 = arith.constant 0 : i32
    %c0_i32_1 = arith.constant 0 : i32
    return %c0_i32, %arg0, %c0_i32_0 : i32, i32, i32
  }
  func.func @transform_1(%arg0: i32) -> (i32, i32) {
    %c0_i32 = arith.constant 0 : i32
    %c0_i32_0 = arith.constant 0 : i32
    return %arg0, %c0_i32 : i32, i32
  }
  func.func @transform_2(%arg0: i32) -> (i32, i32, i32) {
    %c0_i32 = arith.constant 0 : i32
    %c0_i32_0 = arith.constant 0 : i32
    %c0_i32_1 = arith.constant 0 : i32
    return %c0_i32, %arg0, %c0_i32_0 : i32, i32, i32
  }
  func.func @transform_3(%arg0: i32) -> (i32, i32) {
    %c0_i32 = arith.constant 0 : i32
    %c0_i32_0 = arith.constant 0 : i32
    %c0_i32_1 = arith.constant 0 : i32
    return %c0_i32, %c0_i32_0 : i32, i32
  }
  func.func @transform_4(%arg0: i32) -> (i32, i32) {
    %c0_i32 = arith.constant 0 : i32
    %c0_i32_0 = arith.constant 0 : i32
    return %arg0, %c0_i32 : i32, i32
  }
  func.func @transform_5(%arg0: i32) -> (i32, i32) {
    %c0_i32 = arith.constant 0 : i32
    %c0_i32_0 = arith.constant 0 : i32
    %c0_i32_1 = arith.constant 0 : i32
    return %c0_i32, %c0_i32_0 : i32, i32
  }
  func.func @transform_6(%arg0: i32) -> (i32, i32) {
    %c0_i32 = arith.constant 0 : i32
    %c0_i32_0 = arith.constant 0 : i32
    %c0_i32_1 = arith.constant 0 : i32
    return %c0_i32, %c0_i32_0 : i32, i32
  }
  func.func @transform_7(%arg0: i32) -> (i32, i32) {
    %c0_i32 = arith.constant 0 : i32
    %c0_i32_0 = arith.constant 0 : i32
    %c0_i32_1 = arith.constant 0 : i32
    return %c0_i32, %c0_i32_0 : i32, i32
  }
}

</mosaic_0001>

<sc_bundles>
// kernel: kernel.11.cloned.1.call-start
scs
__scs_entry_jumppad:
0x0: {  	(pc) =	sbr.rel $0x88, $3  }
0x1: {  	(tag) =	ssettag $0x0;
	lr =	simm.s32 $0x1  }
0x2: {  	[smem:$0x3F98] =	sst lr;
	_ =	strace $0xD0000000  }
0x3: {  	_ = 	snop  }
0x4: {  	_ = 	snop  }
0x5: {  	_ = 	snop  }
0x6: {  	_ = 	snop  }
0x7: {  	_ = 	snop  }
__scs_overlays_trampoline_lowered:
0x8: {  	[smem:$0x3FA7] =	sst s0  }
0x9: {  	[smem:$0x3FA8] =	sst s1  }
0xa: {  	[smem:$0x3FA9] =	sst s2  }
0xb: {  	[smem:$0x3FAA] =	sst s3  }
0xc: {  	[smem:$0x3FAB] =	sst s4  }
0xd: {  	[smem:$0x3FAC] =	sst s5  }
0xe: {  	[smem:$0x3FAD] =	sst s6  }
0xf: {  	[smem:$0x3FAE] =	sst s7  }
0x10: {  	[smem:$0x3FAF] =	sst s8  }
0x11: {  	[smem:$0x3FB0] =	sst s9;
	s0 =	simm.s32 @!p0 $0x0  }
0x12: {  	s1 =	sld [smem:$0x3F96];
	s0 =	simm.s32 @p0 $0x1  }
0x13: {  	[smem:$0x3FB1] =	sst s0;
	s0 =	simm.s32 @!p1 $0x0  }
0x14: {  	s2 =	sld [smem:$0x3F95];
	s0 =	simm.s32 @p1 $0x1  }
0x15: {  	[smem:$0x3FB2] =	sst s0;
	s0 =	simm.s32 @!p2 $0x0  }
0x16: {  	s3 =	sld [smem:$0x3FDB];
	s0 =	simm.s32 @p2 $0x1  }
0x17: {  	s4 =	simm.s32 $0x1BF5;
	[smem:$0x3FB4] =	sst s0  }
0x18: {  	s0 =	sld [smem:$0x3F97];
	_ =	swait.ge [sflag:s4], $0x0  }
0x19: {  	s7 =	sld [smem:$0x3F98]  }
0x1a: {  	s8 =	sadd.s32 $0xFFFFE003, lr  }
0x1b: {  	s9 =	sadd.s32 $0xFFFFFEF7, lr;
	s5 =	simm.s32 $0xFFFFFFFF;
	p2 =	slt.u32 s8, $0xFFFFF086  }
0x1c: {  	p1 =	slt.u32 s9, $0xF7A;
	s5 =	simm.s32 @!p2 $0x0  }
0x1d: {  	s5 =	simm.s32 @p1 $0x1;
	p0 =	seq.s32 s7, s2  }
0x1e: {  	s7 =	smul.u32 @!p0 $0xF7A, s2;
	p2 =	seq.s32 @!p0 s5, $0x0  }
0x1f: {  	s9 =	smul.u32 $0xF7A, s1;
	s8 =	simm.s32 @!p0 $0x1BF5;
	p2 =	por !p2, p0  }
0x20: {  	[sflag:s8] =	ssyncset.s32 @!p0 $0xFFFFF086;
	s6 =	sadd.s32 @!p0 s3, s7;
	s7 =	simm.s32 @!p0 $0x108  }
0x21: {  	s3 =	sadd.s32 s3, s9;
	s6 =	sadd.s32 @!p0 $0x88, s6;
	s7 =	simm.s32 @p2 $0x1082  }
0x22: {  	[simem:s7], [sflag:s8] =	dma.local @!p0 [hbm:s6], $0xF7A  }
0x23: {  	s9 =	sor.u32 $0xD0000000, s2;
	s6 =	simm.s32 $0x108;
	_ =	swait.ge @!p0 [sflag:s8], $0x0  }
0x24: {  	s3 =	sadd.s32 $0x88, s3;
	s6 =	simm.s32 @!p1 $0x1082;
	[sflag:s4] =	ssyncset.s32 $0xFFFFF086  }
0x25: {  	[simem:s6], [sflag:s4] =	dma.local [hbm:s3], $0xF7A  }
0x26: {  	[smem:$0x3F98] =	sst s1;
	(tag) =	ssettag s2;
	_ =	strace s9  }
0x27: {  	s1 =	sld [smem:$0x3FA8]  }
0x28: {  	s2 =	sld [smem:$0x3FA9]  }
0x29: {  	s4 =	sld [smem:$0x3FAB]  }
0x2a: {  	p0 =	seq.s32 s5, $0x0;
	s5 =	sld [smem:$0x3FAC]  }
0x2b: {  	s6 =	sld [smem:$0x3FAD]  }
0x2c: {  	s7 =	sld [smem:$0x3FAE]  }
0x2d: {  	s3 =	simm.s32 $0x108;
	s8 =	sld [smem:$0x3FAF]  }
0x2e: {  	s3 =	simm.s32 @!p0 $0x1082;
	s9 =	sld [smem:$0x3FB0]  }
0x2f: {  	lr =	sadd.s32 s0, s3;
	s0 =	sld [smem:$0x3FA7]  }
0x30: {  	s3 =	sld [smem:$0x3FAA]  }
0x31: {  	[smem:$0x3FB3] =	sst s10  }
0x32: {  	s10 =	sld [smem:$0x3FB1];
	_ =	sdelay $0x3  }
0x33: {  	p0 =	seq.s32 s10, $0x1;
	s10 =	sld [smem:$0x3FB3];
	_ =	sdelay $0x3  }
0x34: {  	[smem:$0x3FB3] =	sst s10  }
0x35: {  	s10 =	sld [smem:$0x3FB2];
	_ =	sdelay $0x3  }
0x36: {  	p1 =	seq.s32 s10, $0x1;
	s10 =	sld [smem:$0x3FB3];
	_ =	sdelay $0x3  }
0x37: {  	[smem:$0x3FB3] =	sst s10  }
0x38: {  	s10 =	sld [smem:$0x3FB4]  }
0x39: {  	_ = 	snop;
	(pc) =	sbr.ind lr, $3  }
0x3a: {  	_ = 	snop  }
0x3b: {  	_ = 	snop  }
0x3c: {  	p2 =	seq.s32 s10, $0x1;
	s10 =	sld [smem:$0x3FB3]  }
0x3d: {  	_ =	shalt  }
0x3e: {  	_ =	shalt  }
0x3f: {  	_ =	shalt  }
0x40: {  	_ =	shalt  }
0x41: {  	_ =	shalt  }
0x42: {  	_ =	shalt  }
0x43: {  	_ =	shalt  }
0x44: {  	_ =	shalt  }
0x45: {  	_ =	shalt  }
0x46: {  	_ =	shalt  }
0x47: {  	_ =	shalt  }
0x48: {  	_ =	shalt  }
0x49: {  	_ =	shalt  }
0x4a: {  	_ =	shalt  }
0x4b: {  	_ =	shalt  }
0x4c: {  	_ =	shalt  }
0x4d: {  	_ =	shalt  }
0x4e: {  	_ =	shalt  }
0x4f: {  	_ =	shalt  }
0x50: {  	_ =	shalt  }
0x51: {  	_ =	shalt  }
0x52: {  	_ =	shalt  }
0x53: {  	_ =	shalt  }
0x54: {  	_ =	shalt  }
0x55: {  	_ =	shalt  }
0x56: {  	_ =	shalt  }
0x57: {  	_ =	shalt  }
0x58: {  	_ =	shalt  }
0x59: {  	_ =	shalt  }
0x5a: {  	_ =	shalt  }
0x5b: {  	_ =	shalt  }
0x5c: {  	_ =	shalt  }
0x5d: {  	_ =	shalt  }
0x5e: {  	_ =	shalt  }
0x5f: {  	_ =	shalt  }
0x60: {  	_ =	shalt  }
0x61: {  	_ =	shalt  }
0x62: {  	_ =	shalt  }
0x63: {  	_ =	shalt  }
0x64: {  	_ =	shalt  }
0x65: {  	_ =	shalt  }
0x66: {  	_ =	shalt  }
0x67: {  	_ =	shalt  }
0x68: {  	_ =	shalt  }
0x69: {  	_ =	shalt  }
0x6a: {  	_ =	shalt  }
0x6b: {  	_ =	shalt  }
0x6c: {  	_ =	shalt  }
0x6d: {  	_ =	shalt  }
0x6e: {  	_ =	shalt  }
0x6f: {  	_ =	shalt  }
0x70: {  	_ =	shalt  }
0x71: {  	_ =	shalt  }
0x72: {  	_ =	shalt  }
0x73: {  	_ =	shalt  }
0x74: {  	_ =	shalt  }
0x75: {  	_ =	shalt  }
0x76: {  	_ =	shalt  }
0x77: {  	_ =	shalt  }
0x78: {  	_ =	shalt  }
0x79: {  	_ =	shalt  }
0x7a: {  	_ =	shalt  }
0x7b: {  	_ =	shalt  }
0x7c: {  	_ =	shalt  }
0x7d: {  	_ =	shalt  }
0x7e: {  	_ =	shalt  }
0x7f: {  	_ =	shalt  }
0x80: {  	_ =	shalt  }
0x81: {  	_ =	shalt  }
0x82: {  	_ =	shalt  }
0x83: {  	_ =	shalt  }
0x84: {  	_ =	shalt  }
0x85: {  	_ =	shalt  }
0x86: {  	_ =	shalt  }
0x87: {  	_ =	shalt  }
.Lfunc_end0:
.L_simem_size_0:
called_computation.1_lowered:
.L_overlay_start_0:
0x88: {  	s2 =	sld [smem:$0x3FD9]  }
0x89: {  	s3 =	sld [smem:$0x3FFE];
	_ =	sdelay $0x1  }
0x8a: {  	s1 =	srdreg.scid  }
0x8b: {  	s0 =	sand.u32 $0x1, s1  }
0x8c: {  	s16 =	sshll.u32 s0, $0xA;
	s2 =	sadd.s32 s3, s2  }
0x8d: {  	s2 =	sadd.s32 s2, s16  }
0x8e: {  	[smem:$0x3FBF] =	sst s2  }
0x8f: {  	_ = 	snop  }
0x90: {  	(tm) =	ssettm $0x1  }
0x91: {  	s17 =	sld [smem:$0x3FFB];
	_ =	sdelay $0x3  }
0x92: {  	_ =	strace s17  }
0x93: {  	s2 =	sld [smem:$0x3FFC];
	_ =	sdelay $0x3  }
0x94: {  	_ =	strace s2  }
0x95: {  	s2 =	sld [smem:$0x3FFD];
	_ =	sdelay $0x3  }
0x96: {  	_ =	strace s2  }
0x97: {  	_ =	strace $0x8FFFFFFF  }
0x98: {  	s18 =	sld [smem:$0x3FDB];
	_ =	sdelay $0x1  }
0x99: {  	s19 =	simm.s32 $_scs_section_size  }
0x9a: {  	s4 =	simm.s32 $_size__tile_overlayer_lowered;
	s5 =	simm.s32 $_tile_overlayer_lowered  }
0x9b: {  	s22 =	simm.s32 $0x1BFF;
	s21 =	sshll.u32 s5, $0x1;
	s2 =	sadd.s32 s19, s18  }
0x9c: {  	s6 =	simm.s32 $0x0;
	s20 =	sshll.u32 s4, $0x1;
	s4 =	sadd.s32 s21, s2  }
0x9d: {  	[timem:s6], [sflag:s22] =	dma.local [hbm:s4], s20  }
0x9e: {  	_ =	swait.ge [sflag:s22], s20  }
0x9f: {  	s3 =	ssub.s32 $0x0, s20;
	[sflag:s22] =	ssyncset.done $0x0  }
0xa0: {  	[sflag:s22] =	ssyncadd.s32 s3;
	_ =	sdelay $0x1  }
0xa1: {  	s23 =	simm.s32 $0x1B8B  }
0xa2: {  	_ =	swait.ge [sflag:s23], $0x1  }
0xa3: {  	[sflag:s23] =	ssyncset.done $0x0  }
0xa4: {  	s25 =	simm.s32 $0x1B8E;
	s24 =	sld [smem:$0x3FFE];
	[sflag:s23] =	ssyncadd.s32 $0xFFFFFFFF  }
0xa5: {  	s26 =	simm.s32 $execute0_lowered;
	[smem:$0x3FD2] =	sst s25  }
0xa6: {  	s4 =	sshll.u32 s26, $0x1;
	_ =	strace $0x80000049;
	[dreg:$0x1] =	wrdreg $0xFFFFFFFF  }
0xa7: {  	s28 =	simm.s32 $_size_execute0_lowered;
	s2 =	sadd.s32 s2, s4;
	[dreg:$0x0] =	wrdreg $0x0  }
0xa8: {  	s4 =	sshll.u32 s28, $0x1;
	[dreg:$0x2] =	wrdreg s2  }
0xa9: {  	[dreg:$0x3] =	wrdreg s4  }
0xaa: {  	[dreg:$0x4] =	wrdreg $0xC0  }
0xab: {  	_ =	task [dreg:s6], $0x5FFFF  }
0xac: {  	[dreg:$0x1] =	wrdreg $0xFFFFFFFF  }
0xad: {  	[dreg:$0x0] =	wrdreg $0x60  }
0xae: {  	[dreg:$0x2] =	wrdreg s24  }
0xaf: {  	[dreg:$0x3] =	wrdreg $0xA0000  }
0xb0: {  	[dreg:$0x4] =	wrdreg $0x9  }
0xb1: {  	_ =	task.clear_ibuf [dreg:s6], $0x5FFFF;
	_ =	strace $0x90000049  }
0xb2: {  	s29 =	simm.s32 $0x9;
	_ =	strace $0x8000004B  }
0xb3: {  	_ =	swait.ge [sflag:s29], $0x1  }
0xb4: {  	[sflag:s29] =	ssyncadd.s32 $0xFFFFFFFF  }
0xb5: {  	_ =	strace $0x9000004B  }
0xb6: {  	_ =	sfence  }
0xb7: {  	s30 =	sld [smem:$0x0];
	_ =	sdelay $0x2  }
0xb8: {  	s31 =	sshll.u32 s1, $0xD;
	s1 =	sshrl.u32 s1, $0x2  }
0xb9: {  	s3 =	sand.u32 $0x4000, s31;
	s1 =	sadd.s32 s1, s30  }
0xba: {  	s0 =	sor.u32 s3, s0;
	s1 =	sshll.u32 s1, $0x11  }
0xbb: {  	s0 =	sor.u32 s1, s0  }
0xbc: {  	s0 =	sadd.s32 $0x8F2B, s0  }
0xbd: {  	[sflag:s0] =	ssyncadd.remote.s32 $0x1  }
0xbe: {  	_ =	sfence.sel $0xFFFF  }
0xbf: {  	[dreg:$0x0] =	wrdreg $0xFFFFFFFF;
	(pc) =	sbr.abs _section_cstart, $3  }
0xc0: {  	[dreg:$0x1] =	wrdreg $0xFFFFFFFF  }
0xc1: {  	_ =	task.clear_ibuf [dreg:s6], $0x2FFFF;
	_ =	strace $0x9FFFFFFF  }
0xc2: {  	(tm) =	ssettm $0x7FFFFFFF  }
0xc3: {  	_ =	shalt  }
tec
execute0_lowered:
.L_overlay_start_1:
0x0: {  	(tag) =	ssettag $0x1  }
0x1: {  	s7 =	rddreg [dreg:$0x0]  }
0x2: {  	s2 =	rddreg [dreg:$0x1]  }
0x3: {  	s0 =	rddreg [dreg:$0x2];
	s3 =	simm.s32 $0x0  }
0x4: {  	s1 =	stileid.u32;
	s4 =	srdreg.scid;
	s15 =	simm.s32 $0x80  }
0x5: {  	s16 =	simm.s32 $0x2000;
	s17 =	simm.s32 $0x6000;
	s18 =	simm.s32 $0x1  }
0x6: {  	s19 =	simm.s32 $0x2;
	s21 =	simm.s32 $0x1F80;
	[smem:$0x7FF] =	sst s3  }
0x7: {  	s8 =	smul.u32 $0x14000, s1;
	s20 =	sand.u32 $0x1, s4;
	s4 =	sadd.s32 $0xCA00, s7  }
0x8: {  	s5 =	sadd.s32 $0x2A00, s7;
	s6 =	sadd.s32 $0x16A00, s7;
	s11 =	smul.u32 $0x50000, s1  }
0x9: {  	s30 =	sshll.u32 s1, $0x6;
	s31 =	sshll.u32 s1, $0xC;
	_ =	strace $0x8000004A  }
0xa: {  	s9 =	smul.u32 $0x140000, s20;
	s29 =	ssub.s32 $0x2, s20;
	p0 =	seq.s32 s20, $0x0  }
0xb: {  	s10 =	sshrl.u32 s8, $0x3;
	s12 =	sshrl.u32 s29, $0x1;
	s11 =	sshrl.u32 s11, $0x2  }
0xc: {  	s10 =	sadd.s32 s10, s7;
	s8 =	sadd.s32 s8, s9;
	s12 =	ssub.s32 s29, s12  }
0xd: {  	s14 =	sadd.s32 s11, s2;
	s9 =	sor.u32 $0x1C03, s30;
	s8 =	sshrl.u32 s8, $0x3  }
0xe: {  	s11 =	smax.u32 s12, $0x1;
	s12 =	sshrl.u32 s14, $0x3;
	s13 =	sadd.s32 s8, s7  }
0xf: {  	s7 =	sadd.s32 $0x8EA00, s10;
	s10 =	sshll.u32 s1, $0xE;
	s8 =	sor.u32 $0x40000, s31  }
0x10: {  	s14 =	simm.s32 $0x1000;
	s8 =	smov.u32 @p0 s10;
	s10 =	sadd.s32 $0xB6A00, s13  }
0x11: {  	s13 =	simm.s32 $0x3;
	p0 =	sne.s32 s20, $0x0;
	s20 =	simm.s32 $0x1F00  }
.LBB2_1:
0x12: {  	[spmem:s12], [sflag:s9] =	dma.local [hbm:s7], $0x2800  }
0x13: {  	_ =	swait.ge [sflag:s13], $0x2800  }
0x14: {  	[sflag:s13] =	ssyncset.done $0x0  }
0x15: {  	[sflag:s13] =	ssyncadd.s32 $0xFFFFD800  }
0x16: {  	s22 =	simm.s32 $0x0;
	[bflag:$0x0] =	sbarrier.arrive $0xFFFF  }
.LBB2_2:
0x17: {  	s23 =	sshll.u32 s22, $0xC  }
0x18: {  	s23 =	sadd.s32 s8, s23  }
0x19: {  	s23 =	sshrl.u32 s23, $0x3  }
0x1a: {  	s25 =	simm.s32 $0x0;
	s24 =	sadd.s32 s4, s23  }
0x1b: {  	[tilespmem:s25], [sflag:$0x3] =	stream.linear.gather [hbm4b:s24+s25], $0x1000, $0x38;
	[tilespmem:$0x1E000] =	vst v63  }
0x1c: {  	_ =	swait.ge [sflag:s13], $0x1000  }
0x1d: {  	[sflag:s13] =	ssyncset.done $0x0  }
0x1e: {  	s23 =	sadd.s32 s5, s23;
	[sflag:s13] =	ssyncadd.s32 $0xFFFFF000  }
0x1f: {  	[tilespmem:s14], [sflag:$0x3] =	stream.linear.gather [hbm4b:s23+s25], $0x1000, $0x38;
	[tilespmem:$0x1E000] =	vst v63  }
0x20: {  	_ =	swait.ge [sflag:s13], $0x1000  }
0x21: {  	[sflag:s13] =	ssyncset.done $0x0  }
0x22: {  	[sflag:s13] =	ssyncadd.s32 $0xFFFFF000  }
0x23: {  	[tilespmem:s16], [sflag:$0x1] =	stream.indirect.gather [hbm4b:s6+s15], $0x80, s25, s15, $0xb8;
	[tilespmem:$0x1E000] =	vst v63  }
0x24: {  	_ = 	snop  }
0x25: {  	[tilespmem:s17], [sflag:$0x2] =	stream.indirect.gather [hbm4b:s6+s15], $0x80, s15, s15, $0xb8;
	[tilespmem:$0x1E000] =	vst v63  }
0x26: {  	_ =	swait.ge [sflag:s18], $0x4000  }
0x27: {  	[sflag:s18] =	ssyncset.done $0x0  }
0x28: {  	s29 =	simm.s32 $0x1000;
	[sflag:s18] =	ssyncadd.s32 $0xFFFFC000  }
0x29: {  	[spmem:s2] =	stream.indirect.scatter.add.f32 [tilespmem:s16], [sflag:$0x3], $0x80, s29, s15, $0xb8;
	[tilespmem:$0x1E000] =	vst v63  }
0x2a: {  	_ =	swait.ge [sflag:s13], $0x4000  }
0x2b: {  	[sflag:s13] =	ssyncset.done $0x0  }
0x2c: {  	s30 =	simm.s32 $0x100;
	[sflag:s13] =	ssyncadd.s32 $0xFFFFC000  }
0x2d: {  	[tilespmem:s16], [sflag:$0x1] =	stream.indirect.gather [hbm4b:s6+s15], $0x80, s30, s15, $0xb8;
	[tilespmem:$0x1E000] =	vst v63  }
0x2e: {  	_ =	swait.ge [sflag:s19], $0x4000  }
0x2f: {  	[sflag:s19] =	ssyncset.done $0x0  }
0x30: {  	s31 =	simm.s32 $0x1080;
	[sflag:s19] =	ssyncadd.s32 $0xFFFFC000  }
0x31: {  	[spmem:s2] =	stream.indirect.scatter.add.f32 [tilespmem:s17], [sflag:$0x3], $0x80, s31, s15, $0xb8;
	[tilespmem:$0x1E000] =	vst v63  }
0x32: {  	_ =	swait.ge [sflag:s13], $0x4000  }
0x33: {  	[sflag:s13] =	ssyncset.done $0x0  }
0x34: {  	s24 =	simm.s32 $0x180;
	s23 =	simm.s32 $0x400;
	[sflag:s13] =	ssyncadd.s32 $0xFFFFC000  }
.LBB2_3:
0x35: {  	[tilespmem:s17], [sflag:$0x2] =	stream.indirect.gather [hbm4b:s6+s15], $0x80, s24, s15, $0xb8;
	[tilespmem:$0x1E000] =	vst v63  }
0x36: {  	s24 =	smov.u32 s23  }
0x37: {  	p1 =	sne.s32 s23, $0x3800;
	s23 =	sadd.s32 $0x400, s23;
	_ =	swait.ge [sflag:s18], $0x4000  }
0x38: {  	s24 =	sshra.s32 s24, $0x2;
	[sflag:s18] =	ssyncset.done $0x0  }
0x39: {  	s25 =	sadd.s32 $0x1000, s24;
	[sflag:s18] =	ssyncadd.s32 $0xFFFFC000  }
0x3a: {  	[spmem:s2] =	stream.indirect.scatter.add.f32 [tilespmem:s16], [sflag:$0x3], $0x80, s25, s15, $0xb8;
	[tilespmem:$0x1E000] =	vst v63  }
0x3b: {  	_ =	swait.ge [sflag:s13], $0x4000  }
0x3c: {  	[sflag:s13] =	ssyncset.done $0x0  }
0x3d: {  	s25 =	sadd.s32 $0x100, s24;
	[sflag:s13] =	ssyncadd.s32 $0xFFFFC000  }
0x3e: {  	[tilespmem:s16], [sflag:$0x1] =	stream.indirect.gather [hbm4b:s6+s15], $0x80, s25, s15, $0xb8;
	[tilespmem:$0x1E000] =	vst v63  }
0x3f: {  	_ =	swait.ge [sflag:s19], $0x4000  }
0x40: {  	[sflag:s19] =	ssyncset.done $0x0  }
.Ltmp0:
0x41: {  	s25 =	sadd.s32 $0x1080, s24;
	[sflag:s19] =	ssyncadd.s32 $0xFFFFC000;
	(pc) =	sbr.rel @p1 .LBB2_3-.Ltmp0, $4  }
0x42: {  	[spmem:s2] =	stream.indirect.scatter.add.f32 [tilespmem:s17], [sflag:$0x3], $0x80, s25, s15, $0xb8;
	[tilespmem:$0x1E000] =	vst v63  }
0x43: {  	_ =	swait.ge [sflag:s13], $0x4000  }
0x44: {  	[sflag:s13] =	ssyncset.done $0x0  }
0x45: {  	s24 =	sadd.s32 $0x180, s24;
	[sflag:s13] =	ssyncadd.s32 $0xFFFFC000  }
0x46: {  	[tilespmem:s17], [sflag:$0x2] =	stream.indirect.gather [hbm4b:s6+s15], $0x80, s24, s15, $0xb8;
	[tilespmem:$0x1E000] =	vst v63  }
0x47: {  	_ =	swait.ge [sflag:s18], $0x4000  }
0x48: {  	[sflag:s18] =	ssyncset.done $0x0  }
0x49: {  	[sflag:s18] =	ssyncadd.s32 $0xFFFFC000  }
0x4a: {  	[spmem:s2] =	stream.indirect.scatter.add.f32 [tilespmem:s16], [sflag:$0x3], $0x80, s20, s15, $0xb8;
	[tilespmem:$0x1E000] =	vst v63  }
0x4b: {  	_ =	swait.ge [sflag:s13], $0x4000  }
0x4c: {  	[sflag:s13] =	ssyncset.done $0x0  }
0x4d: {  	[sflag:s13] =	ssyncadd.s32 $0xFFFFC000  }
0x4e: {  	p1 =	slt.u32 @!p0 s22, $0x3;
	_ =	swait.ge [sflag:s19], $0x4000  }
0x4f: {  	p1 =	por p0, !p1;
	[sflag:s19] =	ssyncset.done $0x0  }
.Ltmp1:
0x50: {  	[sflag:s19] =	ssyncadd.s32 $0xFFFFC000;
	(pc) =	sbr.rel @!p1 .LBB2_2-.Ltmp1, $4  }
0x51: {  	[spmem:s2] =	stream.indirect.scatter.add.f32 [tilespmem:s17], [sflag:$0x3], $0x80, s21, s15, $0xb8;
	[tilespmem:$0x1E000] =	vst v63  }
0x52: {  	_ =	swait.ge [sflag:s13], $0x4000  }
0x53: {  	[sflag:s13] =	ssyncset.done $0x0  }
0x54: {  	s22 =	sadd.s32 $0x1, s22;
	[sflag:s13] =	ssyncadd.s32 $0xFFFFC000  }
0x55: {  	s3 =	sadd.s32 $0x1, s3  }
0x56: {  	p1 =	sne.s32 s3, s11  }
.Ltmp2:
0x57: {  	[bflag:$0x0] =	sbarrier.arrive $0xFFFF;
	(pc) =	sbr.rel @p1 .LBB2_1-.Ltmp2, $4  }
0x58: {  	[hbm:s10], [sflag:s9] =	dma.local [spmem:s12], $0x2800  }
0x59: {  	_ =	swait.ge [sflag:s13], $0x2800  }
0x5a: {  	[sflag:s13] =	ssyncset.done $0x0  }
0x5b: {  	[sflag:s13] =	ssyncadd.s32 $0xFFFFD800  }
0x5c: {  	_ =	sfence.sel $0x180000  }
0x5d: {  	[bflag:$0x0] =	sbarrier.arrive $0xFFFF  }
0x5e: {  	p0 =	sne.s32 s1, $0x0;
	_ =	strace $0x9000004A  }
0x5f: {  	s0 =	sadd.s32 @!p0 $0x100000, s0;
	[bflag:$0x2] =	sbarrier.arrive $0xFFFF  }
0x60: {  	[sflag:s0] =	ssyncadd.tile.s32 @!p0 $0x1;
	_ =	shalt  }
.Lfunc_end2:
_tile_overlayer_lowered:
.L_overlay_start_2:
0x61: {  	(tag) =	ssettag $0x2  }
0x62: {  	s0 =	rddreg [dreg:$0x0];
	s2 =	stileid.u32  }
0x63: {  	s1 =	rddreg [dreg:$0x1];
	p0 =	sne.s32 s2, $0x0  }
0x64: {  	s3 =	rddreg [dreg:$0x2];
	[bflag:$0x3] =	sbarrier.arrive $0xFFFF;
	s2 =	simm.s32 @!p0 $0x1C03  }
0x65: {  	[timem:s3], [sflag:s2] =	dma.local @!p0 [hbm:s0], s1  }
0x66: {  	s0 =	simm.s32 @!p0 $0x3  }
0x67: {  	_ =	swait.ge @!p0 [sflag:s0], s1  }
0x68: {  	s1 =	ssub.s32 @!p0 $0x0, s1;
	[sflag:s0] =	ssyncset.done @!p0 $0x0  }
0x69: {  	[sflag:s0] =	ssyncadd.s32 @!p0 s1  }
0x6a: {  	[bflag:$0x3] =	sbarrier.arrive $0xFFFF  }
0x6b: {  	_ =	shalt  }

// kernel: kernel.14.cloned.1.call-start
scs
__scs_entry_jumppad:
0x0: {  	(pc) =	sbr.rel $0x88, $3  }
0x1: {  	(tag) =	ssettag $0x0;
	lr =	simm.s32 $0x1  }
0x2: {  	[smem:$0x3F98] =	sst lr;
	_ =	strace $0xD0000000  }
0x3: {  	_ = 	snop  }
0x4: {  	_ = 	snop  }
0x5: {  	_ = 	snop  }
0x6: {  	_ = 	snop  }
0x7: {  	_ = 	snop  }
__scs_overlays_trampoline_lowered:
0x8: {  	[smem:$0x3FA7] =	sst s0  }
0x9: {  	[smem:$0x3FA8] =	sst s1  }
0xa: {  	[smem:$0x3FA9] =	sst s2  }
0xb: {  	[smem:$0x3FAA] =	sst s3  }
0xc: {  	[smem:$0x3FAB] =	sst s4  }
0xd: {  	[smem:$0x3FAC] =	sst s5  }
0xe: {  	[smem:$0x3FAD] =	sst s6  }
0xf: {  	[smem:$0x3FAE] =	sst s7  }
0x10: {  	[smem:$0x3FAF] =	sst s8  }
0x11: {  	[smem:$0x3FB0] =	sst s9;
	s0 =	simm.s32 @!p0 $0x0  }
0x12: {  	s1 =	sld [smem:$0x3F96];
	s0 =	simm.s32 @p0 $0x1  }
0x13: {  	[smem:$0x3FB1] =	sst s0;
	s0 =	simm.s32 @!p1 $0x0  }
0x14: {  	s2 =	sld [smem:$0x3F95];
	s0 =	simm.s32 @p1 $0x1  }
0x15: {  	[smem:$0x3FB2] =	sst s0;
	s0 =	simm.s32 @!p2 $0x0  }
0x16: {  	s3 =	sld [smem:$0x3FDB];
	s0 =	simm.s32 @p2 $0x1  }
0x17: {  	s4 =	simm.s32 $0x1BF5;
	[smem:$0x3FB4] =	sst s0  }
0x18: {  	s0 =	sld [smem:$0x3F97];
	_ =	swait.ge [sflag:s4], $0x0  }
0x19: {  	s7 =	sld [smem:$0x3F98]  }
0x1a: {  	s8 =	sadd.s32 $0xFFFFE003, lr  }
0x1b: {  	s9 =	sadd.s32 $0xFFFFFEF7, lr;
	s5 =	simm.s32 $0xFFFFFFFF;
	p2 =	slt.u32 s8, $0xFFFFF086  }
0x1c: {  	p1 =	slt.u32 s9, $0xF7A;
	s5 =	simm.s32 @!p2 $0x0  }
0x1d: {  	s5 =	simm.s32 @p1 $0x1;
	p0 =	seq.s32 s7, s2  }
0x1e: {  	s7 =	smul.u32 @!p0 $0xF7A, s2;
	p2 =	seq.s32 @!p0 s5, $0x0  }
0x1f: {  	s9 =	smul.u32 $0xF7A, s1;
	s8 =	simm.s32 @!p0 $0x1BF5;
	p2 =	por !p2, p0  }
0x20: {  	[sflag:s8] =	ssyncset.s32 @!p0 $0xFFFFF086;
	s6 =	sadd.s32 @!p0 s3, s7;
	s7 =	simm.s32 @!p0 $0x108  }
0x21: {  	s3 =	sadd.s32 s3, s9;
	s6 =	sadd.s32 @!p0 $0x88, s6;
	s7 =	simm.s32 @p2 $0x1082  }
0x22: {  	[simem:s7], [sflag:s8] =	dma.local @!p0 [hbm:s6], $0xF7A  }
0x23: {  	s9 =	sor.u32 $0xD0000000, s2;
	s6 =	simm.s32 $0x108;
	_ =	swait.ge @!p0 [sflag:s8], $0x0  }
0x24: {  	s3 =	sadd.s32 $0x88, s3;
	s6 =	simm.s32 @!p1 $0x1082;
	[sflag:s4] =	ssyncset.s32 $0xFFFFF086  }
0x25: {  	[simem:s6], [sflag:s4] =	dma.local [hbm:s3], $0xF7A  }
0x26: {  	[smem:$0x3F98] =	sst s1;
	(tag) =	ssettag s2;
	_ =	strace s9  }
0x27: {  	s1 =	sld [smem:$0x3FA8]  }
0x28: {  	s2 =	sld [smem:$0x3FA9]  }
0x29: {  	s4 =	sld [smem:$0x3FAB]  }
0x2a: {  	p0 =	seq.s32 s5, $0x0;
	s5 =	sld [smem:$0x3FAC]  }
0x2b: {  	s6 =	sld [smem:$0x3FAD]  }
0x2c: {  	s7 =	sld [smem:$0x3FAE]  }
0x2d: {  	s3 =	simm.s32 $0x108;
	s8 =	sld [smem:$0x3FAF]  }
0x2e: {  	s3 =	simm.s32 @!p0 $0x1082;
	s9 =	sld [smem:$0x3FB0]  }
0x2f: {  	lr =	sadd.s32 s0, s3;
	s0 =	sld [smem:$0x3FA7]  }
0x30: {  	s3 =	sld [smem:$0x3FAA]  }
0x31: {  	[smem:$0x3FB3] =	sst s10  }
0x32: {  	s10 =	sld [smem:$0x3FB1];
	_ =	sdelay $0x3  }
0x33: {  	p0 =	seq.s32 s10, $0x1;
	s10 =	sld [smem:$0x3FB3];
	_ =	sdelay $0x3  }
0x34: {  	[smem:$0x3FB3] =	sst s10  }
0x35: {  	s10 =	sld [smem:$0x3FB2];
	_ =	sdelay $0x3  }
0x36: {  	p1 =	seq.s32 s10, $0x1;
	s10 =	sld [smem:$0x3FB3];
	_ =	sdelay $0x3  }
0x37: {  	[smem:$0x3FB3] =	sst s10  }
0x38: {  	s10 =	sld [smem:$0x3FB4]  }
0x39: {  	_ = 	snop;
	(pc) =	sbr.ind lr, $3  }
0x3a: {  	_ = 	snop  }
0x3b: {  	_ = 	snop  }
0x3c: {  	p2 =	seq.s32 s10, $0x1;
	s10 =	sld [smem:$0x3FB3]  }
0x3d: {  	_ =	shalt  }
0x3e: {  	_ =	shalt  }
0x3f: {  	_ =	shalt  }
0x40: {  	_ =	shalt  }
0x41: {  	_ =	shalt  }
0x42: {  	_ =	shalt  }
0x43: {  	_ =	shalt  }
0x44: {  	_ =	shalt  }
0x45: {  	_ =	shalt  }
0x46: {  	_ =	shalt  }
0x47: {  	_ =	shalt  }
0x48: {  	_ =	shalt  }
0x49: {  	_ =	shalt  }
0x4a: {  	_ =	shalt  }
0x4b: {  	_ =	shalt  }
0x4c: {  	_ =	shalt  }
0x4d: {  	_ =	shalt  }
0x4e: {  	_ =	shalt  }
0x4f: {  	_ =	shalt  }
0x50: {  	_ =	shalt  }
0x51: {  	_ =	shalt  }
0x52: {  	_ =	shalt  }
0x53: {  	_ =	shalt  }
0x54: {  	_ =	shalt  }
0x55: {  	_ =	shalt  }
0x56: {  	_ =	shalt  }
0x57: {  	_ =	shalt  }
0x58: {  	_ =	shalt  }
0x59: {  	_ =	shalt  }
0x5a: {  	_ =	shalt  }
0x5b: {  	_ =	shalt  }
0x5c: {  	_ =	shalt  }
0x5d: {  	_ =	shalt  }
0x5e: {  	_ =	shalt  }
0x5f: {  	_ =	shalt  }
0x60: {  	_ =	shalt  }
0x61: {  	_ =	shalt  }
0x62: {  	_ =	shalt  }
0x63: {  	_ =	shalt  }
0x64: {  	_ =	shalt  }
0x65: {  	_ =	shalt  }
0x66: {  	_ =	shalt  }
0x67: {  	_ =	shalt  }
0x68: {  	_ =	shalt  }
0x69: {  	_ =	shalt  }
0x6a: {  	_ =	shalt  }
0x6b: {  	_ =	shalt  }
0x6c: {  	_ =	shalt  }
0x6d: {  	_ =	shalt  }
0x6e: {  	_ =	shalt  }
0x6f: {  	_ =	shalt  }
0x70: {  	_ =	shalt  }
0x71: {  	_ =	shalt  }
0x72: {  	_ =	shalt  }
0x73: {  	_ =	shalt  }
0x74: {  	_ =	shalt  }
0x75: {  	_ =	shalt  }
0x76: {  	_ =	shalt  }
0x77: {  	_ =	shalt  }
0x78: {  	_ =	shalt  }
0x79: {  	_ =	shalt  }
0x7a: {  	_ =	shalt  }
0x7b: {  	_ =	shalt  }
0x7c: {  	_ =	shalt  }
0x7d: {  	_ =	shalt  }
0x7e: {  	_ =	shalt  }
0x7f: {  	_ =	shalt  }
0x80: {  	_ =	shalt  }
0x81: {  	_ =	shalt  }
0x82: {  	_ =	shalt  }
0x83: {  	_ =	shalt  }
0x84: {  	_ =	shalt  }
0x85: {  	_ =	shalt  }
0x86: {  	_ =	shalt  }
0x87: {  	_ =	shalt  }
.Lfunc_end0:
.L_simem_size_0:
called_computation.2_lowered:
.L_overlay_start_0:
0x88: {  	s2 =	sld [smem:$0x3FD9]  }
0x89: {  	s3 =	sld [smem:$0x3FFE];
	_ =	sdelay $0x1  }
0x8a: {  	s1 =	srdreg.scid  }
0x8b: {  	s0 =	sand.u32 $0x1, s1  }
0x8c: {  	s16 =	sshll.u32 s0, $0xA;
	s2 =	sadd.s32 s3, s2  }
0x8d: {  	s2 =	sadd.s32 s2, s16  }
0x8e: {  	[smem:$0x3FBF] =	sst s2  }
0x8f: {  	_ = 	snop  }
0x90: {  	(tm) =	ssettm $0x1  }
0x91: {  	s17 =	sld [smem:$0x3FFB];
	_ =	sdelay $0x3  }
0x92: {  	_ =	strace s17  }
0x93: {  	s2 =	sld [smem:$0x3FFC];
	_ =	sdelay $0x3  }
0x94: {  	_ =	strace s2  }
0x95: {  	s2 =	sld [smem:$0x3FFD];
	_ =	sdelay $0x3  }
0x96: {  	_ =	strace s2  }
0x97: {  	_ =	strace $0x8FFFFFFF  }
0x98: {  	s18 =	sld [smem:$0x3FDB];
	_ =	sdelay $0x1  }
0x99: {  	s19 =	simm.s32 $_scs_section_size  }
0x9a: {  	s4 =	simm.s32 $_size__tile_overlayer_lowered;
	s5 =	simm.s32 $_tile_overlayer_lowered  }
0x9b: {  	s22 =	simm.s32 $0x1BFF;
	s21 =	sshll.u32 s5, $0x1;
	s2 =	sadd.s32 s19, s18  }
0x9c: {  	s6 =	simm.s32 $0x0;
	s20 =	sshll.u32 s4, $0x1;
	s4 =	sadd.s32 s21, s2  }
0x9d: {  	[timem:s6], [sflag:s22] =	dma.local [hbm:s4], s20  }
0x9e: {  	_ =	swait.ge [sflag:s22], s20  }
0x9f: {  	s3 =	ssub.s32 $0x0, s20;
	[sflag:s22] =	ssyncset.done $0x0  }
0xa0: {  	[sflag:s22] =	ssyncadd.s32 s3;
	_ =	sdelay $0x1  }
0xa1: {  	s23 =	simm.s32 $0x1B8B  }
0xa2: {  	_ =	swait.ge [sflag:s23], $0x1  }
0xa3: {  	[sflag:s23] =	ssyncset.done $0x0  }
0xa4: {  	s25 =	simm.s32 $0x1B8E;
	s24 =	sld [smem:$0x3FFE];
	[sflag:s23] =	ssyncadd.s32 $0xFFFFFFFF  }
0xa5: {  	s26 =	simm.s32 $execute0_lowered;
	[smem:$0x3FD2] =	sst s25  }
0xa6: {  	s4 =	sshll.u32 s26, $0x1;
	_ =	strace $0x8000004C;
	[dreg:$0x1] =	wrdreg $0xFFFFFFFF  }
0xa7: {  	s28 =	simm.s32 $_size_execute0_lowered;
	s2 =	sadd.s32 s2, s4;
	[dreg:$0x0] =	wrdreg $0x0  }
0xa8: {  	s4 =	sshll.u32 s28, $0x1;
	[dreg:$0x2] =	wrdreg s2  }
0xa9: {  	[dreg:$0x3] =	wrdreg s4  }
0xaa: {  	[dreg:$0x4] =	wrdreg $0xC0  }
0xab: {  	_ =	task [dreg:s6], $0x5FFFF  }
0xac: {  	[dreg:$0x1] =	wrdreg $0xFFFFFFFF  }
0xad: {  	[dreg:$0x0] =	wrdreg $0x60  }
0xae: {  	[dreg:$0x2] =	wrdreg s24  }
0xaf: {  	[dreg:$0x3] =	wrdreg $0xA0000  }
0xb0: {  	[dreg:$0x4] =	wrdreg $0x9  }
0xb1: {  	_ =	task.clear_ibuf [dreg:s6], $0x5FFFF;
	_ =	strace $0x9000004C  }
0xb2: {  	s29 =	simm.s32 $0x9;
	_ =	strace $0x8000004E  }
0xb3: {  	_ =	swait.ge [sflag:s29], $0x1  }
0xb4: {  	[sflag:s29] =	ssyncadd.s32 $0xFFFFFFFF  }
0xb5: {  	_ =	strace $0x9000004E  }
0xb6: {  	_ =	sfence  }
0xb7: {  	s30 =	sld [smem:$0x0];
	_ =	sdelay $0x2  }
0xb8: {  	s31 =	sshll.u32 s1, $0xD;
	s1 =	sshrl.u32 s1, $0x2  }
0xb9: {  	s3 =	sand.u32 $0x4000, s31;
	s1 =	sadd.s32 s1, s30  }
0xba: {  	s0 =	sor.u32 s3, s0;
	s1 =	sshll.u32 s1, $0x11  }
0xbb: {  	s0 =	sor.u32 s1, s0  }
0xbc: {  	s0 =	sadd.s32 $0x8F2B, s0  }
0xbd: {  	[sflag:s0] =	ssyncadd.remote.s32 $0x1  }
0xbe: {  	_ =	sfence.sel $0xFFFF  }
0xbf: {  	[dreg:$0x0] =	wrdreg $0xFFFFFFFF;
	(pc) =	sbr.abs _section_cstart, $3  }
0xc0: {  	[dreg:$0x1] =	wrdreg $0xFFFFFFFF  }
0xc1: {  	_ =	task.clear_ibuf [dreg:s6], $0x2FFFF;
	_ =	strace $0x9FFFFFFF  }
0xc2: {  	(tm) =	ssettm $0x7FFFFFFF  }
0xc3: {  	_ =	shalt  }
tec
execute0_lowered:
.L_overlay_start_1:
0x0: {  	(tag) =	ssettag $0x1  }
0x1: {  	s7 =	rddreg [dreg:$0x0]  }
0x2: {  	s2 =	rddreg [dreg:$0x1]  }
0x3: {  	s0 =	rddreg [dreg:$0x2];
	s3 =	simm.s32 $0x0  }
0x4: {  	s1 =	stileid.u32;
	s4 =	srdreg.scid;
	s15 =	simm.s32 $0x80  }
0x5: {  	s16 =	simm.s32 $0x2000;
	s17 =	simm.s32 $0x6000;
	s18 =	simm.s32 $0x1  }
0x6: {  	s19 =	simm.s32 $0x2;
	s21 =	simm.s32 $0x1F80;
	[smem:$0x7FF] =	sst s3  }
0x7: {  	s8 =	smul.u32 $0x14000, s1;
	s20 =	sand.u32 $0x1, s4;
	s4 =	sadd.s32 $0xCA00, s7  }
0x8: {  	s5 =	sadd.s32 $0x2A00, s7;
	s6 =	sadd.s32 $0x16A00, s7;
	s11 =	smul.u32 $0x50000, s1  }
0x9: {  	s30 =	sshll.u32 s1, $0x6;
	s31 =	sshll.u32 s1, $0xC;
	_ =	strace $0x8000004D  }
0xa: {  	s9 =	smul.u32 $0x140000, s20;
	s29 =	ssub.s32 $0x2, s20;
	p0 =	seq.s32 s20, $0x0  }
0xb: {  	s10 =	sshrl.u32 s8, $0x3;
	s12 =	sshrl.u32 s29, $0x1;
	s11 =	sshrl.u32 s11, $0x2  }
0xc: {  	s10 =	sadd.s32 s10, s7;
	s8 =	sadd.s32 s8, s9;
	s12 =	ssub.s32 s29, s12  }
0xd: {  	s14 =	sadd.s32 s11, s2;
	s9 =	sor.u32 $0x1C03, s30;
	s8 =	sshrl.u32 s8, $0x3  }
0xe: {  	s11 =	smax.u32 s12, $0x1;
	s12 =	sshrl.u32 s14, $0x3;
	s13 =	sadd.s32 s8, s7  }
0xf: {  	s7 =	sadd.s32 $0x8EA00, s10;
	s10 =	sshll.u32 s1, $0xE;
	s8 =	sor.u32 $0x40000, s31  }
0x10: {  	s14 =	simm.s32 $0x1000;
	s8 =	smov.u32 @p0 s10;
	s10 =	sadd.s32 $0xB6A00, s13  }
0x11: {  	s13 =	simm.s32 $0x3;
	p0 =	sne.s32 s20, $0x0;
	s20 =	simm.s32 $0x1F00  }
.LBB2_1:
0x12: {  	[spmem:s12], [sflag:s9] =	dma.local [hbm:s7], $0x2800  }
0x13: {  	_ =	swait.ge [sflag:s13], $0x2800  }
0x14: {  	[sflag:s13] =	ssyncset.done $0x0  }
0x15: {  	[sflag:s13] =	ssyncadd.s32 $0xFFFFD800  }
0x16: {  	s22 =	simm.s32 $0x0;
	[bflag:$0x0] =	sbarrier.arrive $0xFFFF  }
.LBB2_2:
0x17: {  	s23 =	sshll.u32 s22, $0xC  }
0x18: {  	s23 =	sadd.s32 s8, s23  }
0x19: {  	s23 =	sshrl.u32 s23, $0x3  }
0x1a: {  	s25 =	simm.s32 $0x0;
	s24 =	sadd.s32 s4, s23  }
0x1b: {  	[tilespmem:s25], [sflag:$0x3] =	stream.linear.gather [hbm4b:s24+s25], $0x1000, $0x38;
	[tilespmem:$0x1E000] =	vst v63  }
0x1c: {  	_ =	swait.ge [sflag:s13], $0x1000  }
0x1d: {  	[sflag:s13] =	ssyncset.done $0x0  }
0x1e: {  	s23 =	sadd.s32 s5, s23;
	[sflag:s13] =	ssyncadd.s32 $0xFFFFF000  }
0x1f: {  	[tilespmem:s14], [sflag:$0x3] =	stream.linear.gather [hbm4b:s23+s25], $0x1000, $0x38;
	[tilespmem:$0x1E000] =	vst v63  }
0x20: {  	_ =	swait.ge [sflag:s13], $0x1000  }
0x21: {  	[sflag:s13] =	ssyncset.done $0x0  }
0x22: {  	[sflag:s13] =	ssyncadd.s32 $0xFFFFF000  }
0x23: {  	[tilespmem:s16], [sflag:$0x1] =	stream.indirect.gather [hbm4b:s6+s15], $0x80, s25, s15, $0xb8;
	[tilespmem:$0x1E000] =	vst v63  }
0x24: {  	_ = 	snop  }
0x25: {  	[tilespmem:s17], [sflag:$0x2] =	stream.indirect.gather [hbm4b:s6+s15], $0x80, s15, s15, $0xb8;
	[tilespmem:$0x1E000] =	vst v63  }
0x26: {  	_ =	swait.ge [sflag:s18], $0x4000  }
0x27: {  	[sflag:s18] =	ssyncset.done $0x0  }
0x28: {  	s29 =	simm.s32 $0x1000;
	[sflag:s18] =	ssyncadd.s32 $0xFFFFC000  }
0x29: {  	[spmem:s2] =	stream.indirect.scatter.add.f32 [tilespmem:s16], [sflag:$0x3], $0x80, s29, s15, $0xb8;
	[tilespmem:$0x1E000] =	vst v63  }
0x2a: {  	_ =	swait.ge [sflag:s13], $0x4000  }
0x2b: {  	[sflag:s13] =	ssyncset.done $0x0  }
0x2c: {  	s30 =	simm.s32 $0x100;
	[sflag:s13] =	ssyncadd.s32 $0xFFFFC000  }
0x2d: {  	[tilespmem:s16], [sflag:$0x1] =	stream.indirect.gather [hbm4b:s6+s15], $0x80, s30, s15, $0xb8;
	[tilespmem:$0x1E000] =	vst v63  }
0x2e: {  	_ =	swait.ge [sflag:s19], $0x4000  }
0x2f: {  	[sflag:s19] =	ssyncset.done $0x0  }
0x30: {  	s31 =	simm.s32 $0x1080;
	[sflag:s19] =	ssyncadd.s32 $0xFFFFC000  }
0x31: {  	[spmem:s2] =	stream.indirect.scatter.add.f32 [tilespmem:s17], [sflag:$0x3], $0x80, s31, s15, $0xb8;
	[tilespmem:$0x1E000] =	vst v63  }
0x32: {  	_ =	swait.ge [sflag:s13], $0x4000  }
0x33: {  	[sflag:s13] =	ssyncset.done $0x0  }
0x34: {  	s24 =	simm.s32 $0x180;
	s23 =	simm.s32 $0x400;
	[sflag:s13] =	ssyncadd.s32 $0xFFFFC000  }
.LBB2_3:
0x35: {  	[tilespmem:s17], [sflag:$0x2] =	stream.indirect.gather [hbm4b:s6+s15], $0x80, s24, s15, $0xb8;
	[tilespmem:$0x1E000] =	vst v63  }
0x36: {  	s24 =	smov.u32 s23  }
0x37: {  	p1 =	sne.s32 s23, $0x3800;
	s23 =	sadd.s32 $0x400, s23;
	_ =	swait.ge [sflag:s18], $0x4000  }
0x38: {  	s24 =	sshra.s32 s24, $0x2;
	[sflag:s18] =	ssyncset.done $0x0  }
0x39: {  	s25 =	sadd.s32 $0x1000, s24;
	[sflag:s18] =	ssyncadd.s32 $0xFFFFC000  }
0x3a: {  	[spmem:s2] =	stream.indirect.scatter.add.f32 [tilespmem:s16], [sflag:$0x3], $0x80, s25, s15, $0xb8;
	[tilespmem:$0x1E000] =	vst v63  }
0x3b: {  	_ =	swait.ge [sflag:s13], $0x4000  }
0x3c: {  	[sflag:s13] =	ssyncset.done $0x0  }
0x3d: {  	s25 =	sadd.s32 $0x100, s24;
	[sflag:s13] =	ssyncadd.s32 $0xFFFFC000  }
0x3e: {  	[tilespmem:s16], [sflag:$0x1] =	stream.indirect.gather [hbm4b:s6+s15], $0x80, s25, s15, $0xb8;
	[tilespmem:$0x1E000] =	vst v63  }
0x3f: {  	_ =	swait.ge [sflag:s19], $0x4000  }
0x40: {  	[sflag:s19] =	ssyncset.done $0x0  }
.Ltmp0:
0x41: {  	s25 =	sadd.s32 $0x1080, s24;
	[sflag:s19] =	ssyncadd.s32 $0xFFFFC000;
	(pc) =	sbr.rel @p1 .LBB2_3-.Ltmp0, $4  }
0x42: {  	[spmem:s2] =	stream.indirect.scatter.add.f32 [tilespmem:s17], [sflag:$0x3], $0x80, s25, s15, $0xb8;
	[tilespmem:$0x1E000] =	vst v63  }
0x43: {  	_ =	swait.ge [sflag:s13], $0x4000  }
0x44: {  	[sflag:s13] =	ssyncset.done $0x0  }
0x45: {  	s24 =	sadd.s32 $0x180, s24;
	[sflag:s13] =	ssyncadd.s32 $0xFFFFC000  }
0x46: {  	[tilespmem:s17], [sflag:$0x2] =	stream.indirect.gather [hbm4b:s6+s15], $0x80, s24, s15, $0xb8;
	[tilespmem:$0x1E000] =	vst v63  }
0x47: {  	_ =	swait.ge [sflag:s18], $0x4000  }
0x48: {  	[sflag:s18] =	ssyncset.done $0x0  }
0x49: {  	[sflag:s18] =	ssyncadd.s32 $0xFFFFC000  }
0x4a: {  	[spmem:s2] =	stream.indirect.scatter.add.f32 [tilespmem:s16], [sflag:$0x3], $0x80, s20, s15, $0xb8;
	[tilespmem:$0x1E000] =	vst v63  }
0x4b: {  	_ =	swait.ge [sflag:s13], $0x4000  }
0x4c: {  	[sflag:s13] =	ssyncset.done $0x0  }
0x4d: {  	[sflag:s13] =	ssyncadd.s32 $0xFFFFC000  }
0x4e: {  	p1 =	slt.u32 @!p0 s22, $0x3;
	_ =	swait.ge [sflag:s19], $0x4000  }
0x4f: {  	p1 =	por p0, !p1;
	[sflag:s19] =	ssyncset.done $0x0  }
.Ltmp1:
0x50: {  	[sflag:s19] =	ssyncadd.s32 $0xFFFFC000;
	(pc) =	sbr.rel @!p1 .LBB2_2-.Ltmp1, $4  }
0x51: {  	[spmem:s2] =	stream.indirect.scatter.add.f32 [tilespmem:s17], [sflag:$0x3], $0x80, s21, s15, $0xb8;
	[tilespmem:$0x1E000] =	vst v63  }
0x52: {  	_ =	swait.ge [sflag:s13], $0x4000  }
0x53: {  	[sflag:s13] =	ssyncset.done $0x0  }
0x54: {  	s22 =	sadd.s32 $0x1, s22;
	[sflag:s13] =	ssyncadd.s32 $0xFFFFC000  }
0x55: {  	s3 =	sadd.s32 $0x1, s3  }
0x56: {  	p1 =	sne.s32 s3, s11  }
.Ltmp2:
0x57: {  	[bflag:$0x0] =	sbarrier.arrive $0xFFFF;
	(pc) =	sbr.rel @p1 .LBB2_1-.Ltmp2, $4  }
0x58: {  	[hbm:s10], [sflag:s9] =	dma.local [spmem:s12], $0x2800  }
0x59: {  	_ =	swait.ge [sflag:s13], $0x2800  }
0x5a: {  	[sflag:s13] =	ssyncset.done $0x0  }
0x5b: {  	[sflag:s13] =	ssyncadd.s32 $0xFFFFD800  }
0x5c: {  	_ =	sfence.sel $0x180000  }
0x5d: {  	[bflag:$0x0] =	sbarrier.arrive $0xFFFF  }
0x5e: {  	p0 =	sne.s32 s1, $0x0;
	_ =	strace $0x9000004D  }
0x5f: {  	s0 =	sadd.s32 @!p0 $0x100000, s0;
	[bflag:$0x2] =	sbarrier.arrive $0xFFFF  }
0x60: {  	[sflag:s0] =	ssyncadd.tile.s32 @!p0 $0x1;
	_ =	shalt  }
.Lfunc_end2:
_tile_overlayer_lowered:
.L_overlay_start_2:
0x61: {  	(tag) =	ssettag $0x2  }
0x62: {  	s0 =	rddreg [dreg:$0x0];
	s2 =	stileid.u32  }
0x63: {  	s1 =	rddreg [dreg:$0x1];
	p0 =	sne.s32 s2, $0x0  }
0x64: {  	s3 =	rddreg [dreg:$0x2];
	[bflag:$0x3] =	sbarrier.arrive $0xFFFF;
	s2 =	simm.s32 @!p0 $0x1C03  }
0x65: {  	[timem:s3], [sflag:s2] =	dma.local @!p0 [hbm:s0], s1  }
0x66: {  	s0 =	simm.s32 @!p0 $0x3  }
0x67: {  	_ =	swait.ge @!p0 [sflag:s0], s1  }
0x68: {  	s1 =	ssub.s32 @!p0 $0x0, s1;
	[sflag:s0] =	ssyncset.done @!p0 $0x0  }
0x69: {  	[sflag:s0] =	ssyncadd.s32 @!p0 s1  }
0x6a: {  	[bflag:$0x3] =	sbarrier.arrive $0xFFFF  }
0x6b: {  	_ =	shalt  }

// kernel: kernel.8.cloned.1.call-start
scs
__scs_entry_jumppad:
0x0: {  	(pc) =	sbr.rel $0x88, $3  }
0x1: {  	(tag) =	ssettag $0x0;
	lr =	simm.s32 $0x1  }
0x2: {  	[smem:$0x3F98] =	sst lr;
	_ =	strace $0xD0000000  }
0x3: {  	_ = 	snop  }
0x4: {  	_ = 	snop  }
0x5: {  	_ = 	snop  }
0x6: {  	_ = 	snop  }
0x7: {  	_ = 	snop  }
__scs_overlays_trampoline_lowered:
0x8: {  	[smem:$0x3FA7] =	sst s0  }
0x9: {  	[smem:$0x3FA8] =	sst s1  }
0xa: {  	[smem:$0x3FA9] =	sst s2  }
0xb: {  	[smem:$0x3FAA] =	sst s3  }
0xc: {  	[smem:$0x3FAB] =	sst s4  }
0xd: {  	[smem:$0x3FAC] =	sst s5  }
0xe: {  	[smem:$0x3FAD] =	sst s6  }
0xf: {  	[smem:$0x3FAE] =	sst s7  }
0x10: {  	[smem:$0x3FAF] =	sst s8  }
0x11: {  	[smem:$0x3FB0] =	sst s9;
	s0 =	simm.s32 @!p0 $0x0  }
0x12: {  	s1 =	sld [smem:$0x3F96];
	s0 =	simm.s32 @p0 $0x1  }
0x13: {  	[smem:$0x3FB1] =	sst s0;
	s0 =	simm.s32 @!p1 $0x0  }
0x14: {  	s2 =	sld [smem:$0x3F95];
	s0 =	simm.s32 @p1 $0x1  }
0x15: {  	[smem:$0x3FB2] =	sst s0;
	s0 =	simm.s32 @!p2 $0x0  }
0x16: {  	s3 =	sld [smem:$0x3FDB];
	s0 =	simm.s32 @p2 $0x1  }
0x17: {  	s4 =	simm.s32 $0x1BF5;
	[smem:$0x3FB4] =	sst s0  }
0x18: {  	s0 =	sld [smem:$0x3F97];
	_ =	swait.ge [sflag:s4], $0x0  }
0x19: {  	s7 =	sld [smem:$0x3F98]  }
0x1a: {  	s8 =	sadd.s32 $0xFFFFE003, lr  }
0x1b: {  	s9 =	sadd.s32 $0xFFFFFEF7, lr;
	s5 =	simm.s32 $0xFFFFFFFF;
	p2 =	slt.u32 s8, $0xFFFFF086  }
0x1c: {  	p1 =	slt.u32 s9, $0xF7A;
	s5 =	simm.s32 @!p2 $0x0  }
0x1d: {  	s5 =	simm.s32 @p1 $0x1;
	p0 =	seq.s32 s7, s2  }
0x1e: {  	s7 =	smul.u32 @!p0 $0xF7A, s2;
	p2 =	seq.s32 @!p0 s5, $0x0  }
0x1f: {  	s9 =	smul.u32 $0xF7A, s1;
	s8 =	simm.s32 @!p0 $0x1BF5;
	p2 =	por !p2, p0  }
0x20: {  	[sflag:s8] =	ssyncset.s32 @!p0 $0xFFFFF086;
	s6 =	sadd.s32 @!p0 s3, s7;
	s7 =	simm.s32 @!p0 $0x108  }
0x21: {  	s3 =	sadd.s32 s3, s9;
	s6 =	sadd.s32 @!p0 $0x88, s6;
	s7 =	simm.s32 @p2 $0x1082  }
0x22: {  	[simem:s7], [sflag:s8] =	dma.local @!p0 [hbm:s6], $0xF7A  }
0x23: {  	s9 =	sor.u32 $0xD0000000, s2;
	s6 =	simm.s32 $0x108;
	_ =	swait.ge @!p0 [sflag:s8], $0x0  }
0x24: {  	s3 =	sadd.s32 $0x88, s3;
	s6 =	simm.s32 @!p1 $0x1082;
	[sflag:s4] =	ssyncset.s32 $0xFFFFF086  }
0x25: {  	[simem:s6], [sflag:s4] =	dma.local [hbm:s3], $0xF7A  }
0x26: {  	[smem:$0x3F98] =	sst s1;
	(tag) =	ssettag s2;
	_ =	strace s9  }
0x27: {  	s1 =	sld [smem:$0x3FA8]  }
0x28: {  	s2 =	sld [smem:$0x3FA9]  }
0x29: {  	s4 =	sld [smem:$0x3FAB]  }
0x2a: {  	p0 =	seq.s32 s5, $0x0;
	s5 =	sld [smem:$0x3FAC]  }
0x2b: {  	s6 =	sld [smem:$0x3FAD]  }
0x2c: {  	s7 =	sld [smem:$0x3FAE]  }
0x2d: {  	s3 =	simm.s32 $0x108;
	s8 =	sld [smem:$0x3FAF]  }
0x2e: {  	s3 =	simm.s32 @!p0 $0x1082;
	s9 =	sld [smem:$0x3FB0]  }
0x2f: {  	lr =	sadd.s32 s0, s3;
	s0 =	sld [smem:$0x3FA7]  }
0x30: {  	s3 =	sld [smem:$0x3FAA]  }
0x31: {  	[smem:$0x3FB3] =	sst s10  }
0x32: {  	s10 =	sld [smem:$0x3FB1];
	_ =	sdelay $0x3  }
0x33: {  	p0 =	seq.s32 s10, $0x1;
	s10 =	sld [smem:$0x3FB3];
	_ =	sdelay $0x3  }
0x34: {  	[smem:$0x3FB3] =	sst s10  }
0x35: {  	s10 =	sld [smem:$0x3FB2];
	_ =	sdelay $0x3  }
0x36: {  	p1 =	seq.s32 s10, $0x1;
	s10 =	sld [smem:$0x3FB3];
	_ =	sdelay $0x3  }
0x37: {  	[smem:$0x3FB3] =	sst s10  }
0x38: {  	s10 =	sld [smem:$0x3FB4]  }
0x39: {  	_ = 	snop;
	(pc) =	sbr.ind lr, $3  }
0x3a: {  	_ = 	snop  }
0x3b: {  	_ = 	snop  }
0x3c: {  	p2 =	seq.s32 s10, $0x1;
	s10 =	sld [smem:$0x3FB3]  }
0x3d: {  	_ =	shalt  }
0x3e: {  	_ =	shalt  }
0x3f: {  	_ =	shalt  }
0x40: {  	_ =	shalt  }
0x41: {  	_ =	shalt  }
0x42: {  	_ =	shalt  }
0x43: {  	_ =	shalt  }
0x44: {  	_ =	shalt  }
0x45: {  	_ =	shalt  }
0x46: {  	_ =	shalt  }
0x47: {  	_ =	shalt  }
0x48: {  	_ =	shalt  }
0x49: {  	_ =	shalt  }
0x4a: {  	_ =	shalt  }
0x4b: {  	_ =	shalt  }
0x4c: {  	_ =	shalt  }
0x4d: {  	_ =	shalt  }
0x4e: {  	_ =	shalt  }
0x4f: {  	_ =	shalt  }
0x50: {  	_ =	shalt  }
0x51: {  	_ =	shalt  }
0x52: {  	_ =	shalt  }
0x53: {  	_ =	shalt  }
0x54: {  	_ =	shalt  }
0x55: {  	_ =	shalt  }
0x56: {  	_ =	shalt  }
0x57: {  	_ =	shalt  }
0x58: {  	_ =	shalt  }
0x59: {  	_ =	shalt  }
0x5a: {  	_ =	shalt  }
0x5b: {  	_ =	shalt  }
0x5c: {  	_ =	shalt  }
0x5d: {  	_ =	shalt  }
0x5e: {  	_ =	shalt  }
0x5f: {  	_ =	shalt  }
0x60: {  	_ =	shalt  }
0x61: {  	_ =	shalt  }
0x62: {  	_ =	shalt  }
0x63: {  	_ =	shalt  }
0x64: {  	_ =	shalt  }
0x65: {  	_ =	shalt  }
0x66: {  	_ =	shalt  }
0x67: {  	_ =	shalt  }
0x68: {  	_ =	shalt  }
0x69: {  	_ =	shalt  }
0x6a: {  	_ =	shalt  }
0x6b: {  	_ =	shalt  }
0x6c: {  	_ =	shalt  }
0x6d: {  	_ =	shalt  }
0x6e: {  	_ =	shalt  }
0x6f: {  	_ =	shalt  }
0x70: {  	_ =	shalt  }
0x71: {  	_ =	shalt  }
0x72: {  	_ =	shalt  }
0x73: {  	_ =	shalt  }
0x74: {  	_ =	shalt  }
0x75: {  	_ =	shalt  }
0x76: {  	_ =	shalt  }
0x77: {  	_ =	shalt  }
0x78: {  	_ =	shalt  }
0x79: {  	_ =	shalt  }
0x7a: {  	_ =	shalt  }
0x7b: {  	_ =	shalt  }
0x7c: {  	_ =	shalt  }
0x7d: {  	_ =	shalt  }
0x7e: {  	_ =	shalt  }
0x7f: {  	_ =	shalt  }
0x80: {  	_ =	shalt  }
0x81: {  	_ =	shalt  }
0x82: {  	_ =	shalt  }
0x83: {  	_ =	shalt  }
0x84: {  	_ =	shalt  }
0x85: {  	_ =	shalt  }
0x86: {  	_ =	shalt  }
0x87: {  	_ =	shalt  }
.Lfunc_end0:
.L_simem_size_0:
called_computation_lowered:
.L_overlay_start_0:
0x88: {  	s2 =	sld [smem:$0x3FD9]  }
0x89: {  	s3 =	sld [smem:$0x3FFE];
	_ =	sdelay $0x1  }
0x8a: {  	s1 =	srdreg.scid  }
0x8b: {  	s0 =	sand.u32 $0x1, s1  }
0x8c: {  	s16 =	sshll.u32 s0, $0xA;
	s2 =	sadd.s32 s3, s2  }
0x8d: {  	s2 =	sadd.s32 s2, s16  }
0x8e: {  	[smem:$0x3FBF] =	sst s2  }
0x8f: {  	_ = 	snop  }
0x90: {  	(tm) =	ssettm $0x1  }
0x91: {  	s17 =	sld [smem:$0x3FFB];
	_ =	sdelay $0x3  }
0x92: {  	_ =	strace s17  }
0x93: {  	s2 =	sld [smem:$0x3FFC];
	_ =	sdelay $0x3  }
0x94: {  	_ =	strace s2  }
0x95: {  	s2 =	sld [smem:$0x3FFD];
	_ =	sdelay $0x3  }
0x96: {  	_ =	strace s2  }
0x97: {  	_ =	strace $0x8FFFFFFF  }
0x98: {  	s18 =	sld [smem:$0x3FDB];
	_ =	sdelay $0x1  }
0x99: {  	s19 =	simm.s32 $_scs_section_size  }
0x9a: {  	s4 =	simm.s32 $_size__tile_overlayer_lowered;
	s5 =	simm.s32 $_tile_overlayer_lowered  }
0x9b: {  	s22 =	simm.s32 $0x1BFF;
	s21 =	sshll.u32 s5, $0x1;
	s2 =	sadd.s32 s19, s18  }
0x9c: {  	s6 =	simm.s32 $0x0;
	s20 =	sshll.u32 s4, $0x1;
	s4 =	sadd.s32 s21, s2  }
0x9d: {  	[timem:s6], [sflag:s22] =	dma.local [hbm:s4], s20  }
0x9e: {  	_ =	swait.ge [sflag:s22], s20  }
0x9f: {  	s3 =	ssub.s32 $0x0, s20;
	[sflag:s22] =	ssyncset.done $0x0  }
0xa0: {  	[sflag:s22] =	ssyncadd.s32 s3;
	_ =	sdelay $0x1  }
0xa1: {  	s23 =	simm.s32 $0x1B8B  }
0xa2: {  	_ =	swait.ge [sflag:s23], $0x1  }
0xa3: {  	[sflag:s23] =	ssyncset.done $0x0  }
0xa4: {  	s25 =	simm.s32 $0x1B8E;
	s24 =	sld [smem:$0x3FFE];
	[sflag:s23] =	ssyncadd.s32 $0xFFFFFFFF  }
0xa5: {  	s26 =	simm.s32 $execute0_lowered;
	[smem:$0x3FD2] =	sst s25  }
0xa6: {  	s4 =	sshll.u32 s26, $0x1;
	_ =	strace $0x80000046;
	[dreg:$0x1] =	wrdreg $0xFFFFFFFF  }
0xa7: {  	s28 =	simm.s32 $_size_execute0_lowered;
	s2 =	sadd.s32 s2, s4;
	[dreg:$0x0] =	wrdreg $0x0  }
0xa8: {  	s4 =	sshll.u32 s28, $0x1;
	[dreg:$0x2] =	wrdreg s2  }
0xa9: {  	[dreg:$0x3] =	wrdreg s4  }
0xaa: {  	[dreg:$0x4] =	wrdreg $0xC0  }
0xab: {  	_ =	task [dreg:s6], $0x5FFFF  }
0xac: {  	[dreg:$0x1] =	wrdreg $0xFFFFFFFF  }
0xad: {  	[dreg:$0x0] =	wrdreg $0x60  }
0xae: {  	[dreg:$0x2] =	wrdreg s24  }
0xaf: {  	[dreg:$0x3] =	wrdreg $0x68000  }
0xb0: {  	[dreg:$0x4] =	wrdreg $0x9  }
0xb1: {  	_ =	task.clear_ibuf [dreg:s6], $0x5FFFF;
	_ =	strace $0x90000046  }
0xb2: {  	s29 =	simm.s32 $0x9;
	_ =	strace $0x80000048  }
0xb3: {  	_ =	swait.ge [sflag:s29], $0x1  }
0xb4: {  	[sflag:s29] =	ssyncadd.s32 $0xFFFFFFFF  }
0xb5: {  	_ =	strace $0x90000048  }
0xb6: {  	_ =	sfence  }
0xb7: {  	s30 =	sld [smem:$0x0];
	_ =	sdelay $0x2  }
0xb8: {  	s31 =	sshll.u32 s1, $0xD;
	s1 =	sshrl.u32 s1, $0x2  }
0xb9: {  	s3 =	sand.u32 $0x4000, s31;
	s1 =	sadd.s32 s1, s30  }
0xba: {  	s0 =	sor.u32 s3, s0;
	s1 =	sshll.u32 s1, $0x11  }
0xbb: {  	s0 =	sor.u32 s1, s0  }
0xbc: {  	s0 =	sadd.s32 $0x8F2B, s0  }
0xbd: {  	[sflag:s0] =	ssyncadd.remote.s32 $0x1  }
0xbe: {  	_ =	sfence.sel $0xFFFF  }
0xbf: {  	[dreg:$0x0] =	wrdreg $0xFFFFFFFF;
	(pc) =	sbr.abs _section_cstart, $3  }
0xc0: {  	[dreg:$0x1] =	wrdreg $0xFFFFFFFF  }
0xc1: {  	_ =	task.clear_ibuf [dreg:s6], $0x2FFFF;
	_ =	strace $0x9FFFFFFF  }
0xc2: {  	(tm) =	ssettm $0x7FFFFFFF  }
0xc3: {  	_ =	shalt  }
tec
execute0_lowered:
.L_overlay_start_1:
0x0: {  	(tag) =	ssettag $0x1  }
0x1: {  	s1 =	srdreg.scid  }
0x2: {  	s0 =	stileid.u32;
	s5 =	rddreg [dreg:$0x0]  }
0x3: {  	s2 =	rddreg [dreg:$0x1];
	s3 =	simm.s32 $0x0;
	s12 =	simm.s32 $0x2800  }
0x4: {  	s4 =	sand.u32 $0x1, s1;
	s28 =	sshll.u32 s0, $0x1;
	s7 =	smul.u32 $0x14000, s0  }
0x5: {  	[smem:$0x7FF] =	sst s3;
	s29 =	smul.u32 $0x50000, s0;
	s31 =	sshll.u32 s0, $0x6  }
0x6: {  	s1 =	sor.u32 s4, s28;
	s8 =	smul.u32 $0x140000, s4;
	s4 =	ssub.s32 $0x2, s4  }
0x7: {  	s6 =	smul.u32 $0x500, s1;
	s1 =	rddreg [dreg:$0x2];
	_ =	strace $0x80000047  }
0x8: {  	s9 =	sshrl.u32 s7, $0x3;
	s30 =	sshrl.u32 s4, $0x1;
	s7 =	sadd.s32 s7, s8  }
0x9: {  	s9 =	sadd.s32 s9, s5;
	s8 =	sshrl.u32 s29, $0x2;
	s10 =	ssub.s32 s4, s30  }
0xa: {  	s6 =	sadd.s32 s6, s5;
	s7 =	sshrl.u32 s7, $0x3;
	s11 =	sadd.s32 s8, s2  }
0xb: {  	s4 =	sadd.s32 $0x16A00, s9;
	s8 =	smax.u32 s10, $0x1;
	s10 =	simm.s32 $0x1  }
0xc: {  	s7 =	sadd.s32 s7, s5;
	s5 =	sor.u32 $0x1C01, s31;
	s6 =	sadd.s32 $0x2A00, s6  }
0xd: {  	v0 =	vimm.f32 $1.000000000e+00;
	s9 =	sshrl.u32 s11, $0x3;
	s11 =	simm.s32 $0x80;
	s7 =	sadd.s32 $0x3EA00, s7  }
.LBB2_1:
0xe: {  	s13 =	simm.s32 $0x200;
	s14 =	simm.s32 $0x0  }
.LBB2_2:
0xf: {  	p0 =	sne.s32 s13, $0xFE00;
	[tilespmem:s14+$0x2800] =	vst v0;
	s14 =	smov.u32 s13;
	s13 =	sadd.s32 $0x200, s13  }
.Ltmp0:
0x10: {  	(pc) =	sbr.rel @p0 .LBB2_2-.Ltmp0, $2  }
0x11: {  	_ =	sdelay $0x2  }
0x12: {  	s14 =	sshra.s32 s14, $0x2  }
0x13: {  	[tilespmem:s14+$0x2800] =	vst v0  }
0x14: {  	[spmem:s9], [sflag:s5] =	dma.local [hbm:s4], $0x2800  }
0x15: {  	_ =	swait.ge [sflag:s10], $0x2800  }
0x16: {  	[sflag:s10] =	ssyncset.done $0x0  }
0x17: {  	s13 =	simm.s32 $0x0;
	[sflag:s10] =	ssyncadd.s32 $0xFFFFD800  }
0x18: {  	[tilespmem:s13], [sflag:$0x1] =	stream.linear.gather [hbm4b:s6+s13], $0x2800, $0x38;
	[tilespmem:$0x9000] =	vst v63  }
0x19: {  	_ =	swait.ge [sflag:s10], $0x2800  }
0x1a: {  	[sflag:s10] =	ssyncset.done $0x0  }
0x1b: {  	[sflag:s10] =	ssyncadd.s32 $0xFFFFD800  }
0x1c: {  	s31 =	simm.s32 $0x0;
	[bflag:$0x0] =	sbarrier.arrive $0xFFFF  }
0x1d: {  	[spmem:s2] =	stream.indirect.scatter.add.f32 [tilespmem:s12], [sflag:$0x1], $0x10, s31, s11, $0xb8;
	[tilespmem:$0x9000] =	vst v63  }
0x1e: {  	_ =	swait.ge [sflag:s10], $0x800  }
0x1f: {  	s13 =	simm.s32 $0x200;
	[sflag:s10] =	ssyncset.done $0x0  }
.LBB2_4:
0x20: {  	s14 =	sshra.s32 s13, $0x2;
	[sflag:s10] =	ssyncadd.s32 $0xFFFFF800;
	p0 =	sne.s32 s13, $0x9E00  }
0x21: {  	[spmem:s2] =	stream.indirect.scatter.add.f32 [tilespmem:s12], [sflag:$0x1], $0x10, s14, s11, $0xb8;
	[tilespmem:$0x9000] =	vst v63  }
.Ltmp1:
0x22: {  	_ = 	snop;
	(pc) =	sbr.rel @p0 .LBB2_4-.Ltmp1, $4  }
0x23: {  	_ = 	snop  }
0x24: {  	s13 =	sadd.s32 $0x200, s13  }
0x25: {  	_ =	swait.ge [sflag:s10], $0x800  }
0x26: {  	[sflag:s10] =	ssyncset.done $0x0  }
0x27: {  	s3 =	sadd.s32 $0x1, s3  }
0x28: {  	[sflag:s10] =	ssyncadd.s32 $0xFFFFF800;
	p0 =	sne.s32 s3, s8  }
.Ltmp2:
0x29: {  	[bflag:$0x0] =	sbarrier.arrive $0xFFFF;
	(pc) =	sbr.rel @p0 .LBB2_1-.Ltmp2, $4  }
0x2a: {  	[hbm:s7], [sflag:s5] =	dma.local [spmem:s9], $0x2800  }
0x2b: {  	_ =	swait.ge [sflag:s10], $0x2800  }
0x2c: {  	[sflag:s10] =	ssyncset.done $0x0  }
0x2d: {  	[sflag:s10] =	ssyncadd.s32 $0xFFFFD800  }
0x2e: {  	_ =	sfence.sel $0x180000  }
0x2f: {  	[bflag:$0x0] =	sbarrier.arrive $0xFFFF  }
0x30: {  	p0 =	sne.s32 s0, $0x0;
	_ =	strace $0x90000047  }
0x31: {  	s0 =	sadd.s32 @!p0 $0x100000, s1;
	[bflag:$0x2] =	sbarrier.arrive $0xFFFF  }
0x32: {  	[sflag:s0] =	ssyncadd.tile.s32 @!p0 $0x1;
	_ =	shalt  }
.Lfunc_end2:
_tile_overlayer_lowered:
.L_overlay_start_2:
0x33: {  	(tag) =	ssettag $0x2  }
0x34: {  	s0 =	rddreg [dreg:$0x0];
	s2 =	stileid.u32  }
0x35: {  	s1 =	rddreg [dreg:$0x1];
	p0 =	sne.s32 s2, $0x0  }
0x36: {  	s3 =	rddreg [dreg:$0x2];
	[bflag:$0x3] =	sbarrier.arrive $0xFFFF;
	s2 =	simm.s32 @!p0 $0x1C01  }
0x37: {  	[timem:s3], [sflag:s2] =	dma.local @!p0 [hbm:s0], s1  }
0x38: {  	s0 =	simm.s32 @!p0 $0x1  }
0x39: {  	_ =	swait.ge @!p0 [sflag:s0], s1  }
0x3a: {  	s1 =	ssub.s32 @!p0 $0x0, s1;
	[sflag:s0] =	ssyncset.done @!p0 $0x0  }
0x3b: {  	[sflag:s0] =	ssyncadd.s32 @!p0 s1  }
0x3c: {  	[bflag:$0x3] =	sbarrier.arrive $0xFFFF  }
0x3d: {  	_ =	shalt  }

</sc_bundles>
